<compile_context>
chip_gen: v7x
topology: tpu7x:2x2x1
jax: 0.10.2.dev20260603
libtpu: 0.0.44.dev20260713+nightly
codegen_flags: <defaults>
</compile_context>

<pallas_src>
import functools

import jax
import jax.numpy as jnp
from jax import lax
from jax.experimental import pallas as pl
from jax.experimental.pallas import tpu as pltpu
from jax.experimental.pallas import tpu_sc as plsc

NC = 2
NS = 16
LANES = 16
CHUNK = 128


def _sc_mesh():
    return plsc.VectorSubcoreMesh(core_axis_name="c", subcore_axis_name="s")


def _deg_hist(cpt, NPAD):

    @functools.partial(
        pl.kernel,
        out_type=jax.ShapeDtypeStruct((NC * NS * NPAD,), jnp.float32),
        mesh=_sc_mesh(),
        scratch_types=[
            pltpu.VMEM((cpt, CHUNK), jnp.int32),
            pltpu.VMEM((CHUNK,), jnp.int32),
            pltpu.VMEM((CHUNK,), jnp.float32),
            pltpu.VMEM((NPAD,), jnp.float32),
            pltpu.VMEM_SHARED((NS * NPAD,), jnp.float32),
            pltpu.SemaphoreType.DMA,
        ],
    )
    def k(row2d_hbm, out_hbm, idx_v, adj_v, ones_v, z_v, deg_sh, sem):
        c = lax.axis_index("c")
        s = lax.axis_index("s")
        wid = s * NC + c
        base = s * NPAD

        hidx = pltpu.async_copy(row2d_hbm.at[pl.ds(wid * cpt, cpt)], idx_v, sem)

        for j in range(CHUNK // LANES):
            ones_v[pl.ds(j * LANES, LANES)] = jnp.ones((LANES,), jnp.float32)

        @pl.loop(0, NPAD // LANES)
        def _(j):
            z_v[pl.ds(j * LANES, LANES)] = jnp.zeros((LANES,), jnp.float32)

        pltpu.sync_copy(z_v, deg_sh.at[pl.ds(base, NPAD)])
        hidx.wait()

        @pl.loop(0, cpt)
        def _(g):
            for j in range(CHUNK // LANES):
                adj_v[pl.ds(j * LANES, LANES)] = (
                    idx_v[g, pl.ds(j * LANES, LANES)] + base
                )
            pltpu.sync_copy(ones_v, deg_sh.at[adj_v], add=True)

        pltpu.sync_copy(deg_sh.at[pl.ds(base, NPAD)], z_v)
        pltpu.sync_copy(z_v, out_hbm.at[pl.ds(wid * NPAD, NPAD)])

    return k


def _edge_scatter(cpt, NPAD, D):
    rps = NPAD // NS
    hp = cpt // 2

    @functools.partial(
        pl.kernel,
        out_type=jax.ShapeDtypeStruct((NC, NPAD, D), jnp.float32),
        mesh=_sc_mesh(),
        scratch_types=[
            pltpu.VMEM((hp, CHUNK), jnp.int32),
            pltpu.VMEM((hp, CHUNK), jnp.int32),
            pltpu.VMEM((CHUNK, D), jnp.float32),
            pltpu.VMEM((CHUNK, D), jnp.float32),
            pltpu.VMEM_SHARED((NPAD, D), jnp.float32),
            pltpu.SemaphoreType.DMA,
            pltpu.SemaphoreType.DMA,
            pltpu.SemaphoreType.DMA,
        ],
    )
    def k(row2d, col2d, y_hbm, out_hbm, ridx, cidx, rows0, rows1, acc_sh,
          gsem0, gsem1, isem):
        c = lax.axis_index("c")
        s = lax.axis_index("s")
        wid = s * NC + c
        nfull, remr = rps // CHUNK, rps % CHUNK

        def gather(idx_ref, buf):
            sem = gsem0 if buf is rows0 else gsem1
            return pltpu.async_copy(y_hbm.at[idx_ref], buf, sem)

        def wait_gather(buf):
            sem = gsem0 if buf is rows0 else gsem1
            pltpu.make_async_copy(y_hbm.at[ridx.at[0]], buf, sem).wait()

        def scatter(buf, idx_ref):
            pltpu.sync_copy(buf, acc_sh.at[idx_ref], add=True)

        @pl.loop(0, CHUNK)
        def _(i):
            for j in range(D // LANES):
                rows0[i, pl.ds(j * LANES, LANES)] = jnp.zeros(
                    (LANES,), jnp.float32
                )

        for t in range(nfull):
            pltpu.sync_copy(rows0, acc_sh.at[pl.ds(s * rps + t * CHUNK, CHUNK)])
        if remr:
            pltpu.sync_copy(
                rows0.at[pl.ds(0, remr)],
                acc_sh.at[pl.ds(s * rps + nfull * CHUNK, remr)],
            )
        plsc.subcore_barrier()

        for ph in range(2):
            h1 = pltpu.async_copy(
                row2d.at[pl.ds(wid * cpt + ph * hp, hp)], ridx, isem
            )
            h2 = pltpu.async_copy(
                col2d.at[pl.ds(wid * cpt + ph * hp, hp)], cidx, isem
            )
            h1.wait()
            h2.wait()
            gather(ridx.at[0], rows0)

            @pl.loop(0, hp // 2 - 1)
            def _(p):
                j0 = 2 * p
                wait_gather(rows0)
                gather(ridx.at[j0 + 1], rows1)
                scatter(rows0, cidx.at[j0])
                gather(ridx.at[j0 + 2], rows0)
                wait_gather(rows1)
                scatter(rows1, cidx.at[j0 + 1])

            wait_gather(rows0)
            gather(ridx.at[hp - 1], rows1)
            scatter(rows0, cidx.at[hp - 2])
            wait_gather(rows1)
            scatter(rows1, cidx.at[hp - 1])

        plsc.subcore_barrier()
        for t in range(nfull):
            sl = pl.ds(s * rps + t * CHUNK, CHUNK)
            pltpu.sync_copy(acc_sh.at[sl], rows0)
            pltpu.sync_copy(rows0, out_hbm.at[c, sl])
        if remr:
            sl = pl.ds(s * rps + nfull * CHUNK, remr)
            pltpu.sync_copy(acc_sh.at[sl], rows0.at[pl.ds(0, remr)])
            pltpu.sync_copy(rows0.at[pl.ds(0, remr)], out_hbm.at[c, sl])

    return k


def _dis_from_deg(deg_blk):
    deg = jnp.sum(deg_blk, axis=1, keepdims=True)
    return jnp.where(deg > 0, lax.rsqrt(deg), 0.0)


def _y_body(deg_ref, x_ref, y_ref):
    y_ref[...] = jnp.maximum(x_ref[...], 0.0) * _dis_from_deg(deg_ref[...])


def _out_body(aw_ref, deg_ref, x_ref, acc_ref, o_ref):
    dis = _dis_from_deg(deg_ref[...])
    o_ref[...] = x_ref[...] + aw_ref[0] * dis * (acc_ref[0] + acc_ref[1])


def kernel(x, edge_index, num_nodes, adaptive_weight):
    N, D = x.shape
    E = edge_index.shape[1]
    row = edge_index[0]
    col = edge_index[1]
    aw = jnp.reshape(adaptive_weight, (1,)).astype(jnp.float32)

    npad = -(-N // (NS * 8)) * (NS * 8)
    nw = NC * NS

    cpt = -(-E // (nw * CHUNK))
    cpt += cpt % 2
    epad = nw * cpt * CHUNK
    dump_idx = N + jnp.arange(epad - E, dtype=jnp.int32) % (npad - N)
    spread_idx = jnp.arange(epad - E, dtype=jnp.int32) * 79 % N
    row_g = jnp.concatenate([row, spread_idx])
    row_h = jnp.concatenate([row, dump_idx])
    col_p = jnp.concatenate([col, dump_idx])
    row_g2 = row_g.reshape(-1, CHUNK)
    row_h2 = row_h.reshape(-1, CHUNK)
    col_p2 = col_p.reshape(-1, CHUNK)

    nt = NC * NS
    deg32 = _deg_hist(cpt, npad)(row_h2).reshape(nt, npad)
    deg_t = deg32.T[:N]

    R = 400
    grid = N // R
    y = pl.pallas_call(
        _y_body,
        grid=(grid,),
        in_specs=[
            pl.BlockSpec((R, nt), lambda i: (i, 0)),
            pl.BlockSpec((R, D), lambda i: (i, 0)),
        ],
        out_specs=pl.BlockSpec((R, D), lambda i: (i, 0)),
        out_shape=jax.ShapeDtypeStruct((N, D), jnp.float32),
    )(deg_t, x)

    acc2 = _edge_scatter(cpt, npad, D)(row_g2, col_p2, y)

    out = pl.pallas_call(
        _out_body,
        grid=(grid,),
        in_specs=[
            pl.BlockSpec(memory_space=pltpu.SMEM),
            pl.BlockSpec((R, nt), lambda i: (i, 0)),
            pl.BlockSpec((R, D), lambda i: (i, 0)),
            pl.BlockSpec((NC, R, D), lambda i: (0, i, 0)),
        ],
        out_specs=pl.BlockSpec((R, D), lambda i: (i, 0)),
        out_shape=jax.ShapeDtypeStruct((N, D), jnp.float32),
    )(aw, deg_t, x, acc2)
    return out

# --- scband reference (transcript-rebuilt; emitter-appended) ---
"""Pipeline reference for scband-graph-convolution-module-85409719648723 (READ-ONLY COPY).

The authoritative reference and input builder live on the scoring server;
editing this copy changes nothing except your own understanding.
"""

import jax, jax.numpy as jnp
import numpy as np

N = 10000
E = 320000
D = 128


def setup_inputs(seed: int = 0) -> dict:
    key = jax.random.key(seed)
    k1, k2 = jax.random.split(key, 2)
    x = jax.random.normal(k1, (N, D), dtype=jnp.float32)
    edge_index = jax.random.randint(k2, (2, E), 0, N, dtype=jnp.int32)
    adaptive_weight = jnp.asarray(1.0, dtype=jnp.float32)
    return {"x": x, "edge_index": edge_index, "num_nodes": N, "adaptive_weight": adaptive_weight}


def reference(x, edge_index, num_nodes, adaptive_weight):
    lower_threshold = 0.0
    row = edge_index[0]
    col = edge_index[1]
    num_edges = edge_index.shape[1]
    n_static = x.shape[0]
    # gcn_norm: degree from scatter-add of ones over row
    edge_weight = jnp.ones((num_edges,), dtype=x.dtype)
    deg_init = jnp.zeros((n_static,), dtype=x.dtype) * num_nodes
    deg = deg_init.at[row].add(edge_weight)
    deg_inv_sqrt = jnp.where(deg > 0, 1.0 / jnp.sqrt(jnp.where(deg > 0, deg, 1.0)), 0.0)
    edge_weight = deg_inv_sqrt[row] * edge_weight * deg_inv_sqrt[col]
    # message: gather source features, scale by edge weight
    msg = x[row] * edge_weight[:, None]
    # threshold filter
    filt = jnp.where(msg > lower_threshold, msg, jnp.zeros_like(msg))
    # adaptive weighting + scatter-add into destination nodes (out starts as x.clone())
    out = x + jnp.zeros_like(x).at[col].add(filt * adaptive_weight)
    return out

if __name__ == "__main__":
    import jax
    _d = setup_inputs()
    print(jax.jit(kernel)(*tuple(_d.values())))

</pallas_src>

<mosaic_0001>
#map = affine_map<(d0, d1) -> (0, 0)>
#map1 = affine_map<(d0, d1) -> (0)>
module attributes {stable_mosaic.version = 14 : i64} {
  func.func @k(%arg0: i32, %arg1: i32, %arg2: memref<2560x128xi32, #tpu.memory_space<hbm>>, %arg3: memref<323584xf32, #tpu.memory_space<hbm>>, %arg4: memref<80x128xi32, #tpu.memory_space<vmem>>, %arg5: memref<128xi32, #tpu.memory_space<vmem>>, %arg6: memref<128xf32, #tpu.memory_space<vmem>>, %arg7: memref<10112xf32, #tpu.memory_space<vmem>>, %arg8: memref<161792xf32, #tpu.memory_space<vmem_shared>>, %arg9: memref<!tpu.dma_semaphore, #tpu.memory_space<semaphore_mem>>) attributes {dimension_semantics = [#tpu.dimension_semantics<core_parallel>, #tpu.dimension_semantics<subcore_parallel>], iteration_bounds = array<i64: 2, 16>, scalar_prefetch = 0 : i64, scratch_operands = 6 : i64, tpu.core_type = #tpu.core_type<sc_vector_subcore>, window_params = [{transform_indices = #map}, {transform_indices = #map1}]} {
    %mul3A = arith.constant 2 : i32
    %mul3A_0 = arith.muli %arg1, %mul3A : i32
    %add3A = arith.addi %mul3A_0, %arg0 : i32
    %mul3A_1 = arith.constant 10112 : i32
    %mul3A_2 = arith.muli %arg1, %mul3A_1 : i32
    %mul3A_3 = arith.constant 80 : i32
    %mul3A_4 = arith.muli %add3A, %mul3A_3 : i32
    %dma_start3A = arith.constant 0 : i32
    %dma_start3A_5 = tpu.memref_slice %arg2[%mul3A_4, %dma_start3A] : memref<2560x128xi32, #tpu.memory_space<hbm>> -> memref<80x128xi32, #tpu.memory_space<hbm>>
    %dma_start3A_6 = arith.constant 0 : i32
    %dma_start3A_7 = tpu.memref_slice %arg2[%mul3A_4, %dma_start3A_6] : memref<2560x128xi32, #tpu.memory_space<hbm>> -> memref<80x128xi32, #tpu.memory_space<hbm>>
    tpu.enqueue_dma source(%dma_start3A_7 : memref<80x128xi32, #tpu.memory_space<hbm>>) target(%arg4 : memref<80x128xi32, #tpu.memory_space<vmem>>) target_semaphore(%arg9 : memref<!tpu.dma_semaphore, #tpu.memory_space<semaphore_mem>>)
    %broadcast_in_dim3A = arith.constant 1.000000e+00 : f32
    %broadcast_in_dim3A_8 = vector.broadcast %broadcast_in_dim3A : f32 to vector<16xf32>
    %swap3A = arith.constant 0 : index
    %swap3A_9 = tpu.vector_load %arg6[%swap3A] {strides = array<i32>} : memref<128xf32, #tpu.memory_space<vmem>>, vector<16xf32>,
    %swap3A_10 = vector.shape_cast %swap3A_9 : vector<16xf32> to vector<16xf32>
    %swap3A_11 = vector.shape_cast %broadcast_in_dim3A_8 : vector<16xf32> to vector<16xf32>
    tpu.vector_store %arg6[%swap3A], %swap3A_11 {strides = array<i32>} : memref<128xf32, #tpu.memory_space<vmem>>, vector<16xf32>,
    %broadcast_in_dim3A_12 = arith.constant 1.000000e+00 : f32
    %broadcast_in_dim3A_13 = vector.broadcast %broadcast_in_dim3A_12 : f32 to vector<16xf32>
    %swap3A_14 = arith.constant 16 : index
    %swap3A_15 = tpu.vector_load %arg6[%swap3A_14] {strides = array<i32>} : memref<128xf32, #tpu.memory_space<vmem>>, vector<16xf32>,
    %swap3A_16 = vector.shape_cast %swap3A_15 : vector<16xf32> to vector<16xf32>
    %swap3A_17 = vector.shape_cast %broadcast_in_dim3A_13 : vector<16xf32> to vector<16xf32>
    tpu.vector_store %arg6[%swap3A_14], %swap3A_17 {strides = array<i32>} : memref<128xf32, #tpu.memory_space<vmem>>, vector<16xf32>,
    %broadcast_in_dim3A_18 = arith.constant 1.000000e+00 : f32
    %broadcast_in_dim3A_19 = vector.broadcast %broadcast_in_dim3A_18 : f32 to vector<16xf32>
    %swap3A_20 = arith.constant 32 : index
    %swap3A_21 = tpu.vector_load %arg6[%swap3A_20] {strides = array<i32>} : memref<128xf32, #tpu.memory_space<vmem>>, vector<16xf32>,
    %swap3A_22 = vector.shape_cast %swap3A_21 : vector<16xf32> to vector<16xf32>
    %swap3A_23 = vector.shape_cast %broadcast_in_dim3A_19 : vector<16xf32> to vector<16xf32>
    tpu.vector_store %arg6[%swap3A_20], %swap3A_23 {strides = array<i32>} : memref<128xf32, #tpu.memory_space<vmem>>, vector<16xf32>,
    %broadcast_in_dim3A_24 = arith.constant 1.000000e+00 : f32
    %broadcast_in_dim3A_25 = vector.broadcast %broadcast_in_dim3A_24 : f32 to vector<16xf32>
    %swap3A_26 = arith.constant 48 : index
    %swap3A_27 = tpu.vector_load %arg6[%swap3A_26] {strides = array<i32>} : memref<128xf32, #tpu.memory_space<vmem>>, vector<16xf32>,
    %swap3A_28 = vector.shape_cast %swap3A_27 : vector<16xf32> to vector<16xf32>
    %swap3A_29 = vector.shape_cast %broadcast_in_dim3A_25 : vector<16xf32> to vector<16xf32>
    tpu.vector_store %arg6[%swap3A_26], %swap3A_29 {strides = array<i32>} : memref<128xf32, #tpu.memory_space<vmem>>, vector<16xf32>,
    %broadcast_in_dim3A_30 = arith.constant 1.000000e+00 : f32
    %broadcast_in_dim3A_31 = vector.broadcast %broadcast_in_dim3A_30 : f32 to vector<16xf32>
    %swap3A_32 = arith.constant 64 : index
    %swap3A_33 = tpu.vector_load %arg6[%swap3A_32] {strides = array<i32>} : memref<128xf32, #tpu.memory_space<vmem>>, vector<16xf32>,
    %swap3A_34 = vector.shape_cast %swap3A_33 : vector<16xf32> to vector<16xf32>
    %swap3A_35 = vector.shape_cast %broadcast_in_dim3A_31 : vector<16xf32> to vector<16xf32>
    tpu.vector_store %arg6[%swap3A_32], %swap3A_35 {strides = array<i32>} : memref<128xf32, #tpu.memory_space<vmem>>, vector<16xf32>,
    %broadcast_in_dim3A_36 = arith.constant 1.000000e+00 : f32
    %broadcast_in_dim3A_37 = vector.broadcast %broadcast_in_dim3A_36 : f32 to vector<16xf32>
    %swap3A_38 = arith.constant 80 : index
    %swap3A_39 = tpu.vector_load %arg6[%swap3A_38] {strides = array<i32>} : memref<128xf32, #tpu.memory_space<vmem>>, vector<16xf32>,
    %swap3A_40 = vector.shape_cast %swap3A_39 : vector<16xf32> to vector<16xf32>
    %swap3A_41 = vector.shape_cast %broadcast_in_dim3A_37 : vector<16xf32> to vector<16xf32>
    tpu.vector_store %arg6[%swap3A_38], %swap3A_41 {strides = array<i32>} : memref<128xf32, #tpu.memory_space<vmem>>, vector<16xf32>,
    %broadcast_in_dim3A_42 = arith.constant 1.000000e+00 : f32
    %broadcast_in_dim3A_43 = vector.broadcast %broadcast_in_dim3A_42 : f32 to vector<16xf32>
    %swap3A_44 = arith.constant 96 : index
    %swap3A_45 = tpu.vector_load %arg6[%swap3A_44] {strides = array<i32>} : memref<128xf32, #tpu.memory_space<vmem>>, vector<16xf32>,
    %swap3A_46 = vector.shape_cast %swap3A_45 : vector<16xf32> to vector<16xf32>
    %swap3A_47 = vector.shape_cast %broadcast_in_dim3A_43 : vector<16xf32> to vector<16xf32>
    tpu.vector_store %arg6[%swap3A_44], %swap3A_47 {strides = array<i32>} : memref<128xf32, #tpu.memory_space<vmem>>, vector<16xf32>,
    %broadcast_in_dim3A_48 = arith.constant 1.000000e+00 : f32
    %broadcast_in_dim3A_49 = vector.broadcast %broadcast_in_dim3A_48 : f32 to vector<16xf32>
    %swap3A_50 = arith.constant 112 : index
    %swap3A_51 = tpu.vector_load %arg6[%swap3A_50] {strides = array<i32>} : memref<128xf32, #tpu.memory_space<vmem>>, vector<16xf32>,
    %swap3A_52 = vector.shape_cast %swap3A_51 : vector<16xf32> to vector<16xf32>
    %swap3A_53 = vector.shape_cast %broadcast_in_dim3A_49 : vector<16xf32> to vector<16xf32>
    tpu.vector_store %arg6[%swap3A_50], %swap3A_53 {strides = array<i32>} : memref<128xf32, #tpu.memory_space<vmem>>, vector<16xf32>,
    %scan3A = arith.constant 0 : i32
    %scan3A_54 = arith.constant 632 : i32
    %scan3A_55 = arith.addi %scan3A, %scan3A_54 : i32
    %scan3A_56 = arith.constant 1 : i32
    scf.for %scan3A_68 = %scan3A to %scan3A_55 step %scan3A_56  : i32 {
      %mul3A_69 = arith.constant 1 : i32
      %mul3A_70 = arith.muli %scan3A_68, %mul3A_69 : i32
      %add3A_71 = arith.constant 0 : i32
      %add3A_72 = arith.addi %add3A_71, %mul3A_70 : i32
      %broadcast_in_dim3A_73 = arith.constant 0.000000e+00 : f32
      %broadcast_in_dim3A_74 = vector.broadcast %broadcast_in_dim3A_73 : f32 to vector<16xf32>
      %mul3A_75 = arith.constant 16 : i32
      %mul3A_76 = arith.muli %add3A_72, %mul3A_75 : i32
      %swap3A_77 = arith.index_cast %mul3A_76 : i32 to index
      %swap3A_78 = tpu.vector_load %arg7[%swap3A_77] {strides = array<i32>} : memref<10112xf32, #tpu.memory_space<vmem>>, vector<16xf32>,
      %swap3A_79 = vector.shape_cast %swap3A_78 : vector<16xf32> to vector<16xf32>
      %swap3A_80 = vector.shape_cast %broadcast_in_dim3A_74 : vector<16xf32> to vector<16xf32>
      tpu.vector_store %arg7[%swap3A_77], %swap3A_80 {strides = array<i32>} : memref<10112xf32, #tpu.memory_space<vmem>>, vector<16xf32>,
    }
    %scan3A_57 = arith.constant 632 : i32
    "tpu.region"() ({
      %run_scoped3A = tpu.sem_alloc : memref<!tpu.dma_semaphore, #tpu.memory_space<semaphore_mem>>
      %dma_start3A_68 = tpu.memref_slice %arg8[%mul3A_2] : memref<161792xf32, #tpu.memory_space<vmem_shared>> -> memref<10112xf32, #tpu.memory_space<vmem_shared>>
      %dma_start3A_69 = tpu.memref_slice %arg8[%mul3A_2] : memref<161792xf32, #tpu.memory_space<vmem_shared>> -> memref<10112xf32, #tpu.memory_space<vmem_shared>>
      tpu.enqueue_dma source(%arg7 : memref<10112xf32, #tpu.memory_space<vmem>>) target(%dma_start3A_69 : memref<10112xf32, #tpu.memory_space<vmem_shared>>) target_semaphore(%run_scoped3A : memref<!tpu.dma_semaphore, #tpu.memory_space<semaphore_mem>>)
      %dma_wait3A_70 = tpu.memref_slice %arg8[%mul3A_2] : memref<161792xf32, #tpu.memory_space<vmem_shared>> -> memref<10112xf32, #tpu.memory_space<vmem_shared>>
      %dma_wait3A_71 = tpu.memref_slice %arg8[%mul3A_2] : memref<161792xf32, #tpu.memory_space<vmem_shared>> -> memref<10112xf32, #tpu.memory_space<vmem_shared>>
      tpu.wait_dma2 semaphore(%run_scoped3A : memref<!tpu.dma_semaphore, #tpu.memory_space<semaphore_mem>>) src(%arg7 : memref<10112xf32, #tpu.memory_space<vmem>>) dst(%dma_wait3A_71 : memref<10112xf32, #tpu.memory_space<vmem_shared>>)
      tpu.yield
    }) : () -> ()
    %dma_wait3A = arith.constant 0 : i32
    %dma_wait3A_58 = tpu.memref_slice %arg2[%mul3A_4, %dma_wait3A] : memref<2560x128xi32, #tpu.memory_space<hbm>> -> memref<80x128xi32, #tpu.memory_space<hbm>>
    %dma_wait3A_59 = arith.constant 0 : i32
    %dma_wait3A_60 = tpu.memref_slice %arg2[%mul3A_4, %dma_wait3A_59] : memref<2560x128xi32, #tpu.memory_space<hbm>> -> memref<80x128xi32, #tpu.memory_space<hbm>>
    tpu.wait_dma2 semaphore(%arg9 : memref<!tpu.dma_semaphore, #tpu.memory_space<semaphore_mem>>) src(%dma_wait3A_60 : memref<80x128xi32, #tpu.memory_space<hbm>>) dst(%arg4 : memref<80x128xi32, #tpu.memory_space<vmem>>)
    %scan3A_61 = arith.constant 0 : i32
    %scan3A_62 = arith.constant 80 : i32
    %scan3A_63 = arith.addi %scan3A_61, %scan3A_62 : i32
    %scan3A_64 = arith.constant 1 : i32
    scf.for %scan3A_68 = %scan3A_61 to %scan3A_63 step %scan3A_64  : i32 {
      %mul3A_69 = arith.constant 1 : i32
      %mul3A_70 = arith.muli %scan3A_68, %mul3A_69 : i32
      %add3A_71 = arith.constant 0 : i32
      %add3A_72 = arith.addi %add3A_71, %mul3A_70 : i32
      %get3A = arith.index_cast %add3A_72 : i32 to index
      %get3A_73 = arith.constant 0 : index
      %get3A_74 = tpu.vector_load %arg4[%get3A, %get3A_73] {strides = array<i32>} : memref<80x128xi32, #tpu.memory_space<vmem>>, vector<1x16xi32>,
      %get3A_75 = vector.shape_cast %get3A_74 : vector<1x16xi32> to vector<16xi32>
      %add3A_76 = vector.broadcast %mul3A_2 : i32 to vector<16xi32>
      %add3A_77 = arith.addi %get3A_75, %add3A_76 : vector<16xi32>
      %swap3A_78 = arith.constant 0 : index
      %swap3A_79 = tpu.vector_load %arg5[%swap3A_78] {strides = array<i32>} : memref<128xi32, #tpu.memory_space<vmem>>, vector<16xi32>,
      %swap3A_80 = vector.shape_cast %swap3A_79 : vector<16xi32> to vector<16xi32>
      %swap3A_81 = vector.shape_cast %add3A_77 : vector<16xi32> to vector<16xi32>
      tpu.vector_store %arg5[%swap3A_78], %swap3A_81 {strides = array<i32>} : memref<128xi32, #tpu.memory_space<vmem>>, vector<16xi32>,
      %get3A_82 = arith.index_cast %add3A_72 : i32 to index
      %get3A_83 = arith.constant 16 : index
      %get3A_84 = tpu.vector_load %arg4[%get3A_82, %get3A_83] {strides = array<i32>} : memref<80x128xi32, #tpu.memory_space<vmem>>, vector<1x16xi32>,
      %get3A_85 = vector.shape_cast %get3A_84 : vector<1x16xi32> to vector<16xi32>
      %add3A_86 = vector.broadcast %mul3A_2 : i32 to vector<16xi32>
      %add3A_87 = arith.addi %get3A_85, %add3A_86 : vector<16xi32>
      %swap3A_88 = arith.constant 16 : index
      %swap3A_89 = tpu.vector_load %arg5[%swap3A_88] {strides = array<i32>} : memref<128xi32, #tpu.memory_space<vmem>>, vector<16xi32>,
      %swap3A_90 = vector.shape_cast %swap3A_89 : vector<16xi32> to vector<16xi32>
      %swap3A_91 = vector.shape_cast %add3A_87 : vector<16xi32> to vector<16xi32>
      tpu.vector_store %arg5[%swap3A_88], %swap3A_91 {strides = array<i32>} : memref<128xi32, #tpu.memory_space<vmem>>, vector<16xi32>,
      %get3A_92 = arith.index_cast %add3A_72 : i32 to index
      %get3A_93 = arith.constant 32 : index
      %get3A_94 = tpu.vector_load %arg4[%get3A_92, %get3A_93] {strides = array<i32>} : memref<80x128xi32, #tpu.memory_space<vmem>>, vector<1x16xi32>,
      %get3A_95 = vector.shape_cast %get3A_94 : vector<1x16xi32> to vector<16xi32>
      %add3A_96 = vector.broadcast %mul3A_2 : i32 to vector<16xi32>
      %add3A_97 = arith.addi %get3A_95, %add3A_96 : vector<16xi32>
      %swap3A_98 = arith.constant 32 : index
      %swap3A_99 = tpu.vector_load %arg5[%swap3A_98] {strides = array<i32>} : memref<128xi32, #tpu.memory_space<vmem>>, vector<16xi32>,
      %swap3A_100 = vector.shape_cast %swap3A_99 : vector<16xi32> to vector<16xi32>
      %swap3A_101 = vector.shape_cast %add3A_97 : vector<16xi32> to vector<16xi32>
      tpu.vector_store %arg5[%swap3A_98], %swap3A_101 {strides = array<i32>} : memref<128xi32, #tpu.memory_space<vmem>>, vector<16xi32>,
      %get3A_102 = arith.index_cast %add3A_72 : i32 to index
      %get3A_103 = arith.constant 48 : index
      %get3A_104 = tpu.vector_load %arg4[%get3A_102, %get3A_103] {strides = array<i32>} : memref<80x128xi32, #tpu.memory_space<vmem>>, vector<1x16xi32>,
      %get3A_105 = vector.shape_cast %get3A_104 : vector<1x16xi32> to vector<16xi32>
      %add3A_106 = vector.broadcast %mul3A_2 : i32 to vector<16xi32>
      %add3A_107 = arith.addi %get3A_105, %add3A_106 : vector<16xi32>
      %swap3A_108 = arith.constant 48 : index
      %swap3A_109 = tpu.vector_load %arg5[%swap3A_108] {strides = array<i32>} : memref<128xi32, #tpu.memory_space<vmem>>, vector<16xi32>,
      %swap3A_110 = vector.shape_cast %swap3A_109 : vector<16xi32> to vector<16xi32>
      %swap3A_111 = vector.shape_cast %add3A_107 : vector<16xi32> to vector<16xi32>
      tpu.vector_store %arg5[%swap3A_108], %swap3A_111 {strides = array<i32>} : memref<128xi32, #tpu.memory_space<vmem>>, vector<16xi32>,
      %get3A_112 = arith.index_cast %add3A_72 : i32 to index
      %get3A_113 = arith.constant 64 : index
      %get3A_114 = tpu.vector_load %arg4[%get3A_112, %get3A_113] {strides = array<i32>} : memref<80x128xi32, #tpu.memory_space<vmem>>, vector<1x16xi32>,
      %get3A_115 = vector.shape_cast %get3A_114 : vector<1x16xi32> to vector<16xi32>
      %add3A_116 = vector.broadcast %mul3A_2 : i32 to vector<16xi32>
      %add3A_117 = arith.addi %get3A_115, %add3A_116 : vector<16xi32>
      %swap3A_118 = arith.constant 64 : index
      %swap3A_119 = tpu.vector_load %arg5[%swap3A_118] {strides = array<i32>} : memref<128xi32, #tpu.memory_space<vmem>>, vector<16xi32>,
      %swap3A_120 = vector.shape_cast %swap3A_119 : vector<16xi32> to vector<16xi32>
      %swap3A_121 = vector.shape_cast %add3A_117 : vector<16xi32> to vector<16xi32>
      tpu.vector_store %arg5[%swap3A_118], %swap3A_121 {strides = array<i32>} : memref<128xi32, #tpu.memory_space<vmem>>, vector<16xi32>,
      %get3A_122 = arith.index_cast %add3A_72 : i32 to index
      %get3A_123 = arith.constant 80 : index
      %get3A_124 = tpu.vector_load %arg4[%get3A_122, %get3A_123] {strides = array<i32>} : memref<80x128xi32, #tpu.memory_space<vmem>>, vector<1x16xi32>,
      %get3A_125 = vector.shape_cast %get3A_124 : vector<1x16xi32> to vector<16xi32>
      %add3A_126 = vector.broadcast %mul3A_2 : i32 to vector<16xi32>
      %add3A_127 = arith.addi %get3A_125, %add3A_126 : vector<16xi32>
      %swap3A_128 = arith.constant 80 : index
      %swap3A_129 = tpu.vector_load %arg5[%swap3A_128] {strides = array<i32>} : memref<128xi32, #tpu.memory_space<vmem>>, vector<16xi32>,
      %swap3A_130 = vector.shape_cast %swap3A_129 : vector<16xi32> to vector<16xi32>
      %swap3A_131 = vector.shape_cast %add3A_127 : vector<16xi32> to vector<16xi32>
      tpu.vector_store %arg5[%swap3A_128], %swap3A_131 {strides = array<i32>} : memref<128xi32, #tpu.memory_space<vmem>>, vector<16xi32>,
      %get3A_132 = arith.index_cast %add3A_72 : i32 to index
      %get3A_133 = arith.constant 96 : index
      %get3A_134 = tpu.vector_load %arg4[%get3A_132, %get3A_133] {strides = array<i32>} : memref<80x128xi32, #tpu.memory_space<vmem>>, vector<1x16xi32>,
      %get3A_135 = vector.shape_cast %get3A_134 : vector<1x16xi32> to vector<16xi32>
      %add3A_136 = vector.broadcast %mul3A_2 : i32 to vector<16xi32>
      %add3A_137 = arith.addi %get3A_135, %add3A_136 : vector<16xi32>
      %swap3A_138 = arith.constant 96 : index
      %swap3A_139 = tpu.vector_load %arg5[%swap3A_138] {strides = array<i32>} : memref<128xi32, #tpu.memory_space<vmem>>, vector<16xi32>,
      %swap3A_140 = vector.shape_cast %swap3A_139 : vector<16xi32> to vector<16xi32>
      %swap3A_141 = vector.shape_cast %add3A_137 : vector<16xi32> to vector<16xi32>
      tpu.vector_store %arg5[%swap3A_138], %swap3A_141 {strides = array<i32>} : memref<128xi32, #tpu.memory_space<vmem>>, vector<16xi32>,
      %get3A_142 = arith.index_cast %add3A_72 : i32 to index
      %get3A_143 = arith.constant 112 : index
      %get3A_144 = tpu.vector_load %arg4[%get3A_142, %get3A_143] {strides = array<i32>} : memref<80x128xi32, #tpu.memory_space<vmem>>, vector<1x16xi32>,
      %get3A_145 = vector.shape_cast %get3A_144 : vector<1x16xi32> to vector<16xi32>
      %add3A_146 = vector.broadcast %mul3A_2 : i32 to vector<16xi32>
      %add3A_147 = arith.addi %get3A_145, %add3A_146 : vector<16xi32>
      %swap3A_148 = arith.constant 112 : index
      %swap3A_149 = tpu.vector_load %arg5[%swap3A_148] {strides = array<i32>} : memref<128xi32, #tpu.memory_space<vmem>>, vector<16xi32>,
      %swap3A_150 = vector.shape_cast %swap3A_149 : vector<16xi32> to vector<16xi32>
      %swap3A_151 = vector.shape_cast %add3A_147 : vector<16xi32> to vector<16xi32>
      tpu.vector_store %arg5[%swap3A_148], %swap3A_151 {strides = array<i32>} : memref<128xi32, #tpu.memory_space<vmem>>, vector<16xi32>,
      "tpu.region"() ({
        %run_scoped3A = tpu.sem_alloc : memref<!tpu.dma_semaphore, #tpu.memory_space<semaphore_mem>>
        %dma_start3A_152 = arith.constant 0 : i32
        %dma_start3A_153 = tpu.memref_slice %arg8[%dma_start3A_152] : memref<161792xf32, #tpu.memory_space<vmem_shared>> -> memref<161792xf32, #tpu.memory_space<vmem_shared>>
        tpu.enqueue_indirect_dma source(%arg6 : memref<128xf32, #tpu.memory_space<vmem>>) target(%dma_start3A_153 : memref<161792xf32, #tpu.memory_space<vmem_shared>>) offsets(%arg5 : memref<128xi32, #tpu.memory_space<vmem>>) semaphore(%run_scoped3A : memref<!tpu.dma_semaphore, #tpu.memory_space<semaphore_mem>>) {add = true}
        %dma_wait3A_154 = arith.constant 0 : i32
        %dma_wait3A_155 = tpu.memref_slice %arg8[%dma_wait3A_154] : memref<161792xf32, #tpu.memory_space<vmem_shared>> -> memref<161792xf32, #tpu.memory_space<vmem_shared>>
        tpu.wait_indirect_dma semaphore(%run_scoped3A : memref<!tpu.dma_semaphore, #tpu.memory_space<semaphore_mem>>) src(%arg6 : memref<128xf32, #tpu.memory_space<vmem>>) dst(%dma_wait3A_155 : memref<161792xf32, #tpu.memory_space<vmem_shared>>)
        tpu.yield
      }) : () -> ()
    }
    %scan3A_65 = arith.constant 80 : i32
    "tpu.region"() ({
      %run_scoped3A = tpu.sem_alloc : memref<!tpu.dma_semaphore, #tpu.memory_space<semaphore_mem>>
      %dma_start3A_68 = tpu.memref_slice %arg8[%mul3A_2] : memref<161792xf32, #tpu.memory_space<vmem_shared>> -> memref<10112xf32, #tpu.memory_space<vmem_shared>>
      %dma_start3A_69 = tpu.memref_slice %arg8[%mul3A_2] : memref<161792xf32, #tpu.memory_space<vmem_shared>> -> memref<10112xf32, #tpu.memory_space<vmem_shared>>
      tpu.enqueue_dma source(%dma_start3A_69 : memref<10112xf32, #tpu.memory_space<vmem_shared>>) target(%arg7 : memref<10112xf32, #tpu.memory_space<vmem>>) target_semaphore(%run_scoped3A : memref<!tpu.dma_semaphore, #tpu.memory_space<semaphore_mem>>)
      %dma_wait3A_70 = tpu.memref_slice %arg8[%mul3A_2] : memref<161792xf32, #tpu.memory_space<vmem_shared>> -> memref<10112xf32, #tpu.memory_space<vmem_shared>>
      %dma_wait3A_71 = tpu.memref_slice %arg8[%mul3A_2] : memref<161792xf32, #tpu.memory_space<vmem_shared>> -> memref<10112xf32, #tpu.memory_space<vmem_shared>>
      tpu.wait_dma2 semaphore(%run_scoped3A : memref<!tpu.dma_semaphore, #tpu.memory_space<semaphore_mem>>) src(%dma_wait3A_71 : memref<10112xf32, #tpu.memory_space<vmem_shared>>) dst(%arg7 : memref<10112xf32, #tpu.memory_space<vmem>>)
      tpu.yield
    }) : () -> ()
    %mul3A_66 = arith.constant 10112 : i32
    %mul3A_67 = arith.muli %add3A, %mul3A_66 : i32
    "tpu.region"() ({
      %run_scoped3A = tpu.sem_alloc : memref<!tpu.dma_semaphore, #tpu.memory_space<semaphore_mem>>
      %dma_start3A_68 = tpu.memref_slice %arg3[%mul3A_67] : memref<323584xf32, #tpu.memory_space<hbm>> -> memref<10112xf32, #tpu.memory_space<hbm>>
      %dma_start3A_69 = tpu.memref_slice %arg3[%mul3A_67] : memref<323584xf32, #tpu.memory_space<hbm>> -> memref<10112xf32, #tpu.memory_space<hbm>>
      tpu.enqueue_dma source(%arg7 : memref<10112xf32, #tpu.memory_space<vmem>>) target(%dma_start3A_69 : memref<10112xf32, #tpu.memory_space<hbm>>) target_semaphore(%run_scoped3A : memref<!tpu.dma_semaphore, #tpu.memory_space<semaphore_mem>>)
      %dma_wait3A_70 = tpu.memref_slice %arg3[%mul3A_67] : memref<323584xf32, #tpu.memory_space<hbm>> -> memref<10112xf32, #tpu.memory_space<hbm>>
      %dma_wait3A_71 = tpu.memref_slice %arg3[%mul3A_67] : memref<323584xf32, #tpu.memory_space<hbm>> -> memref<10112xf32, #tpu.memory_space<hbm>>
      tpu.wait_dma2 semaphore(%run_scoped3A : memref<!tpu.dma_semaphore, #tpu.memory_space<semaphore_mem>>) src(%arg7 : memref<10112xf32, #tpu.memory_space<vmem>>) dst(%dma_wait3A_71 : memref<10112xf32, #tpu.memory_space<hbm>>)
      tpu.yield
    }) : () -> ()
    return
  }
}

#map = affine_map<(d0, d1) -> (0, 0)>
#map1 = affine_map<(d0, d1) -> (0, 0, 0)>
module attributes {stable_mosaic.version = 14 : i64} {
  func.func @k(%arg0: i32, %arg1: i32, %arg2: memref<2560x128xi32, #tpu.memory_space<hbm>>, %arg3: memref<2560x128xi32, #tpu.memory_space<hbm>>, %arg4: memref<10000x128xf32, #tpu.memory_space<hbm>>, %arg5: memref<2x10112x128xf32, #tpu.memory_space<hbm>>, %arg6: memref<40x128xi32, #tpu.memory_space<vmem>>, %arg7: memref<40x128xi32, #tpu.memory_space<vmem>>, %arg8: memref<128x128xf32, #tpu.memory_space<vmem>>, %arg9: memref<128x128xf32, #tpu.memory_space<vmem>>, %arg10: memref<10112x128xf32, #tpu.memory_space<vmem_shared>>, %arg11: memref<!tpu.dma_semaphore, #tpu.memory_space<semaphore_mem>>, %arg12: memref<!tpu.dma_semaphore, #tpu.memory_space<semaphore_mem>>, %arg13: memref<!tpu.dma_semaphore, #tpu.memory_space<semaphore_mem>>) attributes {dimension_semantics = [#tpu.dimension_semantics<core_parallel>, #tpu.dimension_semantics<subcore_parallel>], iteration_bounds = array<i64: 2, 16>, scalar_prefetch = 0 : i64, scratch_operands = 8 : i64, tpu.core_type = #tpu.core_type<sc_vector_subcore>, window_params = [{transform_indices = #map}, {transform_indices = #map}, {transform_indices = #map}, {transform_indices = #map1}]} {
    %mul3A = arith.constant 2 : i32
    %mul3A_0 = arith.muli %arg1, %mul3A : i32
    %add3A = arith.addi %mul3A_0, %arg0 : i32
    %scan3A = arith.constant 0 : i32
    %scan3A_1 = arith.constant 128 : i32
    %scan3A_2 = arith.addi %scan3A, %scan3A_1 : i32
    %scan3A_3 = arith.constant 1 : i32
    scf.for %scan3A_161 = %scan3A to %scan3A_2 step %scan3A_3  : i32 {
      %mul3A_162 = arith.constant 1 : i32
      %mul3A_163 = arith.muli %scan3A_161, %mul3A_162 : i32
      %add3A_164 = arith.constant 0 : i32
      %add3A_165 = arith.addi %add3A_164, %mul3A_163 : i32
      %broadcast_in_dim3A = arith.constant 0.000000e+00 : f32
      %broadcast_in_dim3A_166 = vector.broadcast %broadcast_in_dim3A : f32 to vector<16xf32>
      %swap3A = arith.index_cast %add3A_165 : i32 to index
      %swap3A_167 = arith.constant 0 : index
      %swap3A_168 = tpu.vector_load %arg8[%swap3A, %swap3A_167] {strides = array<i32>} : memref<128x128xf32, #tpu.memory_space<vmem>>, vector<1x16xf32>,
      %swap3A_169 = vector.shape_cast %swap3A_168 : vector<1x16xf32> to vector<16xf32>
      %swap3A_170 = vector.shape_cast %broadcast_in_dim3A_166 : vector<16xf32> to vector<1x16xf32>
      tpu.vector_store %arg8[%swap3A, %swap3A_167], %swap3A_170 {strides = array<i32>} : memref<128x128xf32, #tpu.memory_space<vmem>>, vector<1x16xf32>,
      %broadcast_in_dim3A_171 = arith.constant 0.000000e+00 : f32
      %broadcast_in_dim3A_172 = vector.broadcast %broadcast_in_dim3A_171 : f32 to vector<16xf32>
      %swap3A_173 = arith.index_cast %add3A_165 : i32 to index
      %swap3A_174 = arith.constant 16 : index
      %swap3A_175 = tpu.vector_load %arg8[%swap3A_173, %swap3A_174] {strides = array<i32>} : memref<128x128xf32, #tpu.memory_space<vmem>>, vector<1x16xf32>,
      %swap3A_176 = vector.shape_cast %swap3A_175 : vector<1x16xf32> to vector<16xf32>
      %swap3A_177 = vector.shape_cast %broadcast_in_dim3A_172 : vector<16xf32> to vector<1x16xf32>
      tpu.vector_store %arg8[%swap3A_173, %swap3A_174], %swap3A_177 {strides = array<i32>} : memref<128x128xf32, #tpu.memory_space<vmem>>, vector<1x16xf32>,
      %broadcast_in_dim3A_178 = arith.constant 0.000000e+00 : f32
      %broadcast_in_dim3A_179 = vector.broadcast %broadcast_in_dim3A_178 : f32 to vector<16xf32>
      %swap3A_180 = arith.index_cast %add3A_165 : i32 to index
      %swap3A_181 = arith.constant 32 : index
      %swap3A_182 = tpu.vector_load %arg8[%swap3A_180, %swap3A_181] {strides = array<i32>} : memref<128x128xf32, #tpu.memory_space<vmem>>, vector<1x16xf32>,
      %swap3A_183 = vector.shape_cast %swap3A_182 : vector<1x16xf32> to vector<16xf32>
      %swap3A_184 = vector.shape_cast %broadcast_in_dim3A_179 : vector<16xf32> to vector<1x16xf32>
      tpu.vector_store %arg8[%swap3A_180, %swap3A_181], %swap3A_184 {strides = array<i32>} : memref<128x128xf32, #tpu.memory_space<vmem>>, vector<1x16xf32>,
      %broadcast_in_dim3A_185 = arith.constant 0.000000e+00 : f32
      %broadcast_in_dim3A_186 = vector.broadcast %broadcast_in_dim3A_185 : f32 to vector<16xf32>
      %swap3A_187 = arith.index_cast %add3A_165 : i32 to index
      %swap3A_188 = arith.constant 48 : index
      %swap3A_189 = tpu.vector_load %arg8[%swap3A_187, %swap3A_188] {strides = array<i32>} : memref<128x128xf32, #tpu.memory_space<vmem>>, vector<1x16xf32>,
      %swap3A_190 = vector.shape_cast %swap3A_189 : vector<1x16xf32> to vector<16xf32>
      %swap3A_191 = vector.shape_cast %broadcast_in_dim3A_186 : vector<16xf32> to vector<1x16xf32>
      tpu.vector_store %arg8[%swap3A_187, %swap3A_188], %swap3A_191 {strides = array<i32>} : memref<128x128xf32, #tpu.memory_space<vmem>>, vector<1x16xf32>,
      %broadcast_in_dim3A_192 = arith.constant 0.000000e+00 : f32
      %broadcast_in_dim3A_193 = vector.broadcast %broadcast_in_dim3A_192 : f32 to vector<16xf32>
      %swap3A_194 = arith.index_cast %add3A_165 : i32 to index
      %swap3A_195 = arith.constant 64 : index
      %swap3A_196 = tpu.vector_load %arg8[%swap3A_194, %swap3A_195] {strides = array<i32>} : memref<128x128xf32, #tpu.memory_space<vmem>>, vector<1x16xf32>,
      %swap3A_197 = vector.shape_cast %swap3A_196 : vector<1x16xf32> to vector<16xf32>
      %swap3A_198 = vector.shape_cast %broadcast_in_dim3A_193 : vector<16xf32> to vector<1x16xf32>
      tpu.vector_store %arg8[%swap3A_194, %swap3A_195], %swap3A_198 {strides = array<i32>} : memref<128x128xf32, #tpu.memory_space<vmem>>, vector<1x16xf32>,
      %broadcast_in_dim3A_199 = arith.constant 0.000000e+00 : f32
      %broadcast_in_dim3A_200 = vector.broadcast %broadcast_in_dim3A_199 : f32 to vector<16xf32>
      %swap3A_201 = arith.index_cast %add3A_165 : i32 to index
      %swap3A_202 = arith.constant 80 : index
      %swap3A_203 = tpu.vector_load %arg8[%swap3A_201, %swap3A_202] {strides = array<i32>} : memref<128x128xf32, #tpu.memory_space<vmem>>, vector<1x16xf32>,
      %swap3A_204 = vector.shape_cast %swap3A_203 : vector<1x16xf32> to vector<16xf32>
      %swap3A_205 = vector.shape_cast %broadcast_in_dim3A_200 : vector<16xf32> to vector<1x16xf32>
      tpu.vector_store %arg8[%swap3A_201, %swap3A_202], %swap3A_205 {strides = array<i32>} : memref<128x128xf32, #tpu.memory_space<vmem>>, vector<1x16xf32>,
      %broadcast_in_dim3A_206 = arith.constant 0.000000e+00 : f32
      %broadcast_in_dim3A_207 = vector.broadcast %broadcast_in_dim3A_206 : f32 to vector<16xf32>
      %swap3A_208 = arith.index_cast %add3A_165 : i32 to index
      %swap3A_209 = arith.constant 96 : index
      %swap3A_210 = tpu.vector_load %arg8[%swap3A_208, %swap3A_209] {strides = array<i32>} : memref<128x128xf32, #tpu.memory_space<vmem>>, vector<1x16xf32>,
      %swap3A_211 = vector.shape_cast %swap3A_210 : vector<1x16xf32> to vector<16xf32>
      %swap3A_212 = vector.shape_cast %broadcast_in_dim3A_207 : vector<16xf32> to vector<1x16xf32>
      tpu.vector_store %arg8[%swap3A_208, %swap3A_209], %swap3A_212 {strides = array<i32>} : memref<128x128xf32, #tpu.memory_space<vmem>>, vector<1x16xf32>,
      %broadcast_in_dim3A_213 = arith.constant 0.000000e+00 : f32
      %broadcast_in_dim3A_214 = vector.broadcast %broadcast_in_dim3A_213 : f32 to vector<16xf32>
      %swap3A_215 = arith.index_cast %add3A_165 : i32 to index
      %swap3A_216 = arith.constant 112 : index
      %swap3A_217 = tpu.vector_load %arg8[%swap3A_215, %swap3A_216] {strides = array<i32>} : memref<128x128xf32, #tpu.memory_space<vmem>>, vector<1x16xf32>,
      %swap3A_218 = vector.shape_cast %swap3A_217 : vector<1x16xf32> to vector<16xf32>
      %swap3A_219 = vector.shape_cast %broadcast_in_dim3A_214 : vector<16xf32> to vector<1x16xf32>
      tpu.vector_store %arg8[%swap3A_215, %swap3A_216], %swap3A_219 {strides = array<i32>} : memref<128x128xf32, #tpu.memory_space<vmem>>, vector<1x16xf32>,
    }
    %scan3A_4 = arith.constant 128 : i32
    %mul3A_5 = arith.constant 632 : i32
    %mul3A_6 = arith.muli %arg1, %mul3A_5 : i32
    %add3A_7 = arith.constant 0 : i32
    %add3A_8 = arith.addi %mul3A_6, %add3A_7 : i32
    "tpu.region"() ({
      %run_scoped3A_161 = tpu.sem_alloc : memref<!tpu.dma_semaphore, #tpu.memory_space<semaphore_mem>>
      %dma_start3A_162 = arith.constant 0 : i32
      %dma_start3A_163 = tpu.memref_slice %arg10[%add3A_8, %dma_start3A_162] : memref<10112x128xf32, #tpu.memory_space<vmem_shared>> -> memref<128x128xf32, #tpu.memory_space<vmem_shared>>
      %dma_start3A_164 = arith.constant 0 : i32
      %dma_start3A_165 = tpu.memref_slice %arg10[%add3A_8, %dma_start3A_164] : memref<10112x128xf32, #tpu.memory_space<vmem_shared>> -> memref<128x128xf32, #tpu.memory_space<vmem_shared>>
      tpu.enqueue_dma source(%arg8 : memref<128x128xf32, #tpu.memory_space<vmem>>) target(%dma_start3A_165 : memref<128x128xf32, #tpu.memory_space<vmem_shared>>) target_semaphore(%run_scoped3A_161 : memref<!tpu.dma_semaphore, #tpu.memory_space<semaphore_mem>>)
      %dma_wait3A_166 = arith.constant 0 : i32
      %dma_wait3A_167 = tpu.memref_slice %arg10[%add3A_8, %dma_wait3A_166] : memref<10112x128xf32, #tpu.memory_space<vmem_shared>> -> memref<128x128xf32, #tpu.memory_space<vmem_shared>>
      %dma_wait3A_168 = arith.constant 0 : i32
      %dma_wait3A_169 = tpu.memref_slice %arg10[%add3A_8, %dma_wait3A_168] : memref<10112x128xf32, #tpu.memory_space<vmem_shared>> -> memref<128x128xf32, #tpu.memory_space<vmem_shared>>
      tpu.wait_dma2 semaphore(%run_scoped3A_161 : memref<!tpu.dma_semaphore, #tpu.memory_space<semaphore_mem>>) src(%arg8 : memref<128x128xf32, #tpu.memory_space<vmem>>) dst(%dma_wait3A_169 : memref<128x128xf32, #tpu.memory_space<vmem_shared>>)
      tpu.yield
    }) : () -> ()
    %mul3A_9 = arith.constant 632 : i32
    %mul3A_10 = arith.muli %arg1, %mul3A_9 : i32
    %add3A_11 = arith.constant 128 : i32
    %add3A_12 = arith.addi %mul3A_10, %add3A_11 : i32
    "tpu.region"() ({
      %run_scoped3A_161 = tpu.sem_alloc : memref<!tpu.dma_semaphore, #tpu.memory_space<semaphore_mem>>
      %dma_start3A_162 = arith.constant 0 : i32
      %dma_start3A_163 = tpu.memref_slice %arg10[%add3A_12, %dma_start3A_162] : memref<10112x128xf32, #tpu.memory_space<vmem_shared>> -> memref<128x128xf32, #tpu.memory_space<vmem_shared>>
      %dma_start3A_164 = arith.constant 0 : i32
      %dma_start3A_165 = tpu.memref_slice %arg10[%add3A_12, %dma_start3A_164] : memref<10112x128xf32, #tpu.memory_space<vmem_shared>> -> memref<128x128xf32, #tpu.memory_space<vmem_shared>>
      tpu.enqueue_dma source(%arg8 : memref<128x128xf32, #tpu.memory_space<vmem>>) target(%dma_start3A_165 : memref<128x128xf32, #tpu.memory_space<vmem_shared>>) target_semaphore(%run_scoped3A_161 : memref<!tpu.dma_semaphore, #tpu.memory_space<semaphore_mem>>)
      %dma_wait3A_166 = arith.constant 0 : i32
      %dma_wait3A_167 = tpu.memref_slice %arg10[%add3A_12, %dma_wait3A_166] : memref<10112x128xf32, #tpu.memory_space<vmem_shared>> -> memref<128x128xf32, #tpu.memory_space<vmem_shared>>
      %dma_wait3A_168 = arith.constant 0 : i32
      %dma_wait3A_169 = tpu.memref_slice %arg10[%add3A_12, %dma_wait3A_168] : memref<10112x128xf32, #tpu.memory_space<vmem_shared>> -> memref<128x128xf32, #tpu.memory_space<vmem_shared>>
      tpu.wait_dma2 semaphore(%run_scoped3A_161 : memref<!tpu.dma_semaphore, #tpu.memory_space<semaphore_mem>>) src(%arg8 : memref<128x128xf32, #tpu.memory_space<vmem>>) dst(%dma_wait3A_169 : memref<128x128xf32, #tpu.memory_space<vmem_shared>>)
      tpu.yield
    }) : () -> ()
    %mul3A_13 = arith.constant 632 : i32
    %mul3A_14 = arith.muli %arg1, %mul3A_13 : i32
    %add3A_15 = arith.constant 256 : i32
    %add3A_16 = arith.addi %mul3A_14, %add3A_15 : i32
    "tpu.region"() ({
      %run_scoped3A_161 = tpu.sem_alloc : memref<!tpu.dma_semaphore, #tpu.memory_space<semaphore_mem>>
      %dma_start3A_162 = arith.constant 0 : i32
      %dma_start3A_163 = tpu.memref_slice %arg10[%add3A_16, %dma_start3A_162] : memref<10112x128xf32, #tpu.memory_space<vmem_shared>> -> memref<128x128xf32, #tpu.memory_space<vmem_shared>>
      %dma_start3A_164 = arith.constant 0 : i32
      %dma_start3A_165 = tpu.memref_slice %arg10[%add3A_16, %dma_start3A_164] : memref<10112x128xf32, #tpu.memory_space<vmem_shared>> -> memref<128x128xf32, #tpu.memory_space<vmem_shared>>
      tpu.enqueue_dma source(%arg8 : memref<128x128xf32, #tpu.memory_space<vmem>>) target(%dma_start3A_165 : memref<128x128xf32, #tpu.memory_space<vmem_shared>>) target_semaphore(%run_scoped3A_161 : memref<!tpu.dma_semaphore, #tpu.memory_space<semaphore_mem>>)
      %dma_wait3A_166 = arith.constant 0 : i32
      %dma_wait3A_167 = tpu.memref_slice %arg10[%add3A_16, %dma_wait3A_166] : memref<10112x128xf32, #tpu.memory_space<vmem_shared>> -> memref<128x128xf32, #tpu.memory_space<vmem_shared>>
      %dma_wait3A_168 = arith.constant 0 : i32
      %dma_wait3A_169 = tpu.memref_slice %arg10[%add3A_16, %dma_wait3A_168] : memref<10112x128xf32, #tpu.memory_space<vmem_shared>> -> memref<128x128xf32, #tpu.memory_space<vmem_shared>>
      tpu.wait_dma2 semaphore(%run_scoped3A_161 : memref<!tpu.dma_semaphore, #tpu.memory_space<semaphore_mem>>) src(%arg8 : memref<128x128xf32, #tpu.memory_space<vmem>>) dst(%dma_wait3A_169 : memref<128x128xf32, #tpu.memory_space<vmem_shared>>)
      tpu.yield
    }) : () -> ()
    %mul3A_17 = arith.constant 632 : i32
    %mul3A_18 = arith.muli %arg1, %mul3A_17 : i32
    %add3A_19 = arith.constant 384 : i32
    %add3A_20 = arith.addi %mul3A_18, %add3A_19 : i32
    "tpu.region"() ({
      %run_scoped3A_161 = tpu.sem_alloc : memref<!tpu.dma_semaphore, #tpu.memory_space<semaphore_mem>>
      %dma_start3A_162 = arith.constant 0 : i32
      %dma_start3A_163 = tpu.memref_slice %arg10[%add3A_20, %dma_start3A_162] : memref<10112x128xf32, #tpu.memory_space<vmem_shared>> -> memref<128x128xf32, #tpu.memory_space<vmem_shared>>
      %dma_start3A_164 = arith.constant 0 : i32
      %dma_start3A_165 = tpu.memref_slice %arg10[%add3A_20, %dma_start3A_164] : memref<10112x128xf32, #tpu.memory_space<vmem_shared>> -> memref<128x128xf32, #tpu.memory_space<vmem_shared>>
      tpu.enqueue_dma source(%arg8 : memref<128x128xf32, #tpu.memory_space<vmem>>) target(%dma_start3A_165 : memref<128x128xf32, #tpu.memory_space<vmem_shared>>) target_semaphore(%run_scoped3A_161 : memref<!tpu.dma_semaphore, #tpu.memory_space<semaphore_mem>>)
      %dma_wait3A_166 = arith.constant 0 : i32
      %dma_wait3A_167 = tpu.memref_slice %arg10[%add3A_20, %dma_wait3A_166] : memref<10112x128xf32, #tpu.memory_space<vmem_shared>> -> memref<128x128xf32, #tpu.memory_space<vmem_shared>>
      %dma_wait3A_168 = arith.constant 0 : i32
      %dma_wait3A_169 = tpu.memref_slice %arg10[%add3A_20, %dma_wait3A_168] : memref<10112x128xf32, #tpu.memory_space<vmem_shared>> -> memref<128x128xf32, #tpu.memory_space<vmem_shared>>
      tpu.wait_dma2 semaphore(%run_scoped3A_161 : memref<!tpu.dma_semaphore, #tpu.memory_space<semaphore_mem>>) src(%arg8 : memref<128x128xf32, #tpu.memory_space<vmem>>) dst(%dma_wait3A_169 : memref<128x128xf32, #tpu.memory_space<vmem_shared>>)
      tpu.yield
    }) : () -> ()
    %mul3A_21 = arith.constant 632 : i32
    %mul3A_22 = arith.muli %arg1, %mul3A_21 : i32
    %add3A_23 = arith.constant 512 : i32
    %add3A_24 = arith.addi %mul3A_22, %add3A_23 : i32
    "tpu.region"() ({
      %run_scoped3A_161 = tpu.sem_alloc : memref<!tpu.dma_semaphore, #tpu.memory_space<semaphore_mem>>
      %dma_start3A_162 = arith.constant 0 : i32
      %dma_start3A_163 = arith.constant 0 : i32
      %dma_start3A_164 = tpu.memref_slice %arg8[%dma_start3A_162, %dma_start3A_163] : memref<128x128xf32, #tpu.memory_space<vmem>> -> memref<120x128xf32, #tpu.memory_space<vmem>>
      %dma_start3A_165 = arith.constant 0 : i32
      %dma_start3A_166 = tpu.memref_slice %arg10[%add3A_24, %dma_start3A_165] : memref<10112x128xf32, #tpu.memory_space<vmem_shared>> -> memref<120x128xf32, #tpu.memory_space<vmem_shared>>
      %dma_start3A_167 = arith.constant 0 : i32
      %dma_start3A_168 = tpu.memref_slice %arg10[%add3A_24, %dma_start3A_167] : memref<10112x128xf32, #tpu.memory_space<vmem_shared>> -> memref<120x128xf32, #tpu.memory_space<vmem_shared>>
      %dma_start3A_169 = arith.constant 0 : i32
      %dma_start3A_170 = arith.constant 0 : i32
      %dma_start3A_171 = tpu.memref_slice %arg8[%dma_start3A_169, %dma_start3A_170] : memref<128x128xf32, #tpu.memory_space<vmem>> -> memref<120x128xf32, #tpu.memory_space<vmem>>
      tpu.enqueue_dma source(%dma_start3A_171 : memref<120x128xf32, #tpu.memory_space<vmem>>) target(%dma_start3A_168 : memref<120x128xf32, #tpu.memory_space<vmem_shared>>) target_semaphore(%run_scoped3A_161 : memref<!tpu.dma_semaphore, #tpu.memory_space<semaphore_mem>>)
      %dma_wait3A_172 = arith.constant 0 : i32
      %dma_wait3A_173 = arith.constant 0 : i32
      %dma_wait3A_174 = tpu.memref_slice %arg8[%dma_wait3A_172, %dma_wait3A_173] : memref<128x128xf32, #tpu.memory_space<vmem>> -> memref<120x128xf32, #tpu.memory_space<vmem>>
      %dma_wait3A_175 = arith.constant 0 : i32
      %dma_wait3A_176 = tpu.memref_slice %arg10[%add3A_24, %dma_wait3A_175] : memref<10112x128xf32, #tpu.memory_space<vmem_shared>> -> memref<120x128xf32, #tpu.memory_space<vmem_shared>>
      %dma_wait3A_177 = arith.constant 0 : i32
      %dma_wait3A_178 = tpu.memref_slice %arg10[%add3A_24, %dma_wait3A_177] : memref<10112x128xf32, #tpu.memory_space<vmem_shared>> -> memref<120x128xf32, #tpu.memory_space<vmem_shared>>
      %dma_wait3A_179 = arith.constant 0 : i32
      %dma_wait3A_180 = arith.constant 0 : i32
      %dma_wait3A_181 = tpu.memref_slice %arg8[%dma_wait3A_179, %dma_wait3A_180] : memref<128x128xf32, #tpu.memory_space<vmem>> -> memref<120x128xf32, #tpu.memory_space<vmem>>
      tpu.wait_dma2 semaphore(%run_scoped3A_161 : memref<!tpu.dma_semaphore, #tpu.memory_space<semaphore_mem>>) src(%dma_wait3A_181 : memref<120x128xf32, #tpu.memory_space<vmem>>) dst(%dma_wait3A_178 : memref<120x128xf32, #tpu.memory_space<vmem_shared>>)
      tpu.yield
    }) : () -> ()
    %barrier3A = arith.constant 0 : index
    tpu.barrier barrier_id(%barrier3A)
    %mul3A_25 = arith.constant 80 : i32
    %mul3A_26 = arith.muli %add3A, %mul3A_25 : i32
    %add3A_27 = arith.constant 0 : i32
    %add3A_28 = arith.addi %mul3A_26, %add3A_27 : i32
    %dma_start3A = arith.constant 0 : i32
    %dma_start3A_29 = tpu.memref_slice %arg2[%add3A_28, %dma_start3A] : memref<2560x128xi32, #tpu.memory_space<hbm>> -> memref<40x128xi32, #tpu.memory_space<hbm>>
    %dma_start3A_30 = arith.constant 0 : i32
    %dma_start3A_31 = tpu.memref_slice %arg2[%add3A_28, %dma_start3A_30] : memref<2560x128xi32, #tpu.memory_space<hbm>> -> memref<40x128xi32, #tpu.memory_space<hbm>>
    tpu.enqueue_dma source(%dma_start3A_31 : memref<40x128xi32, #tpu.memory_space<hbm>>) target(%arg6 : memref<40x128xi32, #tpu.memory_space<vmem>>) target_semaphore(%arg13 : memref<!tpu.dma_semaphore, #tpu.memory_space<semaphore_mem>>)
    %mul3A_32 = arith.constant 80 : i32
    %mul3A_33 = arith.muli %add3A, %mul3A_32 : i32
    %add3A_34 = arith.constant 0 : i32
    %add3A_35 = arith.addi %mul3A_33, %add3A_34 : i32
    %dma_start3A_36 = arith.constant 0 : i32
    %dma_start3A_37 = tpu.memref_slice %arg3[%add3A_35, %dma_start3A_36] : memref<2560x128xi32, #tpu.memory_space<hbm>> -> memref<40x128xi32, #tpu.memory_space<hbm>>
    %dma_start3A_38 = arith.constant 0 : i32
    %dma_start3A_39 = tpu.memref_slice %arg3[%add3A_35, %dma_start3A_38] : memref<2560x128xi32, #tpu.memory_space<hbm>> -> memref<40x128xi32, #tpu.memory_space<hbm>>
    tpu.enqueue_dma source(%dma_start3A_39 : memref<40x128xi32, #tpu.memory_space<hbm>>) target(%arg7 : memref<40x128xi32, #tpu.memory_space<vmem>>) target_semaphore(%arg13 : memref<!tpu.dma_semaphore, #tpu.memory_space<semaphore_mem>>)
    %dma_wait3A = arith.constant 0 : i32
    %dma_wait3A_40 = tpu.memref_slice %arg2[%add3A_28, %dma_wait3A] : memref<2560x128xi32, #tpu.memory_space<hbm>> -> memref<40x128xi32, #tpu.memory_space<hbm>>
    %dma_wait3A_41 = arith.constant 0 : i32
    %dma_wait3A_42 = tpu.memref_slice %arg2[%add3A_28, %dma_wait3A_41] : memref<2560x128xi32, #tpu.memory_space<hbm>> -> memref<40x128xi32, #tpu.memory_space<hbm>>
    tpu.wait_dma2 semaphore(%arg13 : memref<!tpu.dma_semaphore, #tpu.memory_space<semaphore_mem>>) src(%dma_wait3A_42 : memref<40x128xi32, #tpu.memory_space<hbm>>) dst(%arg6 : memref<40x128xi32, #tpu.memory_space<vmem>>)
    %dma_wait3A_43 = arith.constant 0 : i32
    %dma_wait3A_44 = tpu.memref_slice %arg3[%add3A_35, %dma_wait3A_43] : memref<2560x128xi32, #tpu.memory_space<hbm>> -> memref<40x128xi32, #tpu.memory_space<hbm>>
    %dma_wait3A_45 = arith.constant 0 : i32
    %dma_wait3A_46 = tpu.memref_slice %arg3[%add3A_35, %dma_wait3A_45] : memref<2560x128xi32, #tpu.memory_space<hbm>> -> memref<40x128xi32, #tpu.memory_space<hbm>>
    tpu.wait_dma2 semaphore(%arg13 : memref<!tpu.dma_semaphore, #tpu.memory_space<semaphore_mem>>) src(%dma_wait3A_46 : memref<40x128xi32, #tpu.memory_space<hbm>>) dst(%arg7 : memref<40x128xi32, #tpu.memory_space<vmem>>)
    %dma_start3A_47 = arith.constant 0 : i32
    %dma_start3A_48 = arith.constant 0 : i32
    %dma_start3A_49 = tpu.memref_slice %arg6[%dma_start3A_47, %dma_start3A_48] : memref<40x128xi32, #tpu.memory_space<vmem>> -> memref<1x128xi32, #tpu.memory_space<vmem>>
    %dma_start3A_50 = tpu.memref_squeeze %dma_start3A_49 : memref<1x128xi32, #tpu.memory_space<vmem>> -> memref<128xi32, #tpu.memory_space<vmem>>
    %dma_start3A_51 = arith.constant 0 : i32
    %dma_start3A_52 = arith.constant 0 : i32
    %dma_start3A_53 = tpu.memref_slice %arg4[%dma_start3A_51, %dma_start3A_52] : memref<10000x128xf32, #tpu.memory_space<hbm>> -> memref<10000x128xf32, #tpu.memory_space<hbm>>
    tpu.enqueue_indirect_dma source(%dma_start3A_53 : memref<10000x128xf32, #tpu.memory_space<hbm>>) target(%arg8 : memref<128x128xf32, #tpu.memory_space<vmem>>) offsets(%dma_start3A_50 : memref<128xi32, #tpu.memory_space<vmem>>) semaphore(%arg11 : memref<!tpu.dma_semaphore, #tpu.memory_space<semaphore_mem>>)
    %scan3A_54 = arith.constant 0 : i32
    %scan3A_55 = arith.constant 19 : i32
    %scan3A_56 = arith.addi %scan3A_54, %scan3A_55 : i32
    %scan3A_57 = arith.constant 1 : i32
    scf.for %scan3A_161 = %scan3A_54 to %scan3A_56 step %scan3A_57  : i32 {
      %mul3A_162 = arith.constant 1 : i32
      %mul3A_163 = arith.muli %scan3A_161, %mul3A_162 : i32
      %add3A_164 = arith.constant 0 : i32
      %add3A_165 = arith.addi %add3A_164, %mul3A_163 : i32
      %mul3A_166 = arith.constant 2 : i32
      %mul3A_167 = arith.muli %mul3A_166, %add3A_165 : i32
      %dma_wait3A_168 = arith.constant 0 : i32
      %dma_wait3A_169 = arith.constant 0 : i32
      %dma_wait3A_170 = tpu.memref_slice %arg6[%dma_wait3A_168, %dma_wait3A_169] : memref<40x128xi32, #tpu.memory_space<vmem>> -> memref<1x128xi32, #tpu.memory_space<vmem>>
      %dma_wait3A_171 = tpu.memref_squeeze %dma_wait3A_170 : memref<1x128xi32, #tpu.memory_space<vmem>> -> memref<128xi32, #tpu.memory_space<vmem>>
      %dma_wait3A_172 = arith.constant 0 : i32
      %dma_wait3A_173 = arith.constant 0 : i32
      %dma_wait3A_174 = tpu.memref_slice %arg4[%dma_wait3A_172, %dma_wait3A_173] : memref<10000x128xf32, #tpu.memory_space<hbm>> -> memref<10000x128xf32, #tpu.memory_space<hbm>>
      tpu.wait_indirect_dma semaphore(%arg11 : memref<!tpu.dma_semaphore, #tpu.memory_space<semaphore_mem>>) src(%dma_wait3A_174 : memref<10000x128xf32, #tpu.memory_space<hbm>>) dst(%arg8 : memref<128x128xf32, #tpu.memory_space<vmem>>)
      %add3A_175 = arith.constant 1 : i32
      %add3A_176 = arith.addi %mul3A_167, %add3A_175 : i32
      %dma_start3A_177 = arith.constant 0 : i32
      %dma_start3A_178 = tpu.memref_slice %arg6[%add3A_176, %dma_start3A_177] : memref<40x128xi32, #tpu.memory_space<vmem>> -> memref<1x128xi32, #tpu.memory_space<vmem>>
      %dma_start3A_179 = tpu.memref_squeeze %dma_start3A_178 : memref<1x128xi32, #tpu.memory_space<vmem>> -> memref<128xi32, #tpu.memory_space<vmem>>
      %dma_start3A_180 = arith.constant 0 : i32
      %dma_start3A_181 = arith.constant 0 : i32
      %dma_start3A_182 = tpu.memref_slice %arg4[%dma_start3A_180, %dma_start3A_181] : memref<10000x128xf32, #tpu.memory_space<hbm>> -> memref<10000x128xf32, #tpu.memory_space<hbm>>
      tpu.enqueue_indirect_dma source(%dma_start3A_182 : memref<10000x128xf32, #tpu.memory_space<hbm>>) target(%arg9 : memref<128x128xf32, #tpu.memory_space<vmem>>) offsets(%dma_start3A_179 : memref<128xi32, #tpu.memory_space<vmem>>) semaphore(%arg12 : memref<!tpu.dma_semaphore, #tpu.memory_space<semaphore_mem>>)
      "tpu.region"() ({
        %run_scoped3A_200 = tpu.sem_alloc : memref<!tpu.dma_semaphore, #tpu.memory_space<semaphore_mem>>
        %dma_start3A_201 = arith.constant 0 : i32
        %dma_start3A_202 = tpu.memref_slice %arg7[%mul3A_167, %dma_start3A_201] : memref<40x128xi32, #tpu.memory_space<vmem>> -> memref<1x128xi32, #tpu.memory_space<vmem>>
        %dma_start3A_203 = tpu.memref_squeeze %dma_start3A_202 : memref<1x128xi32, #tpu.memory_space<vmem>> -> memref<128xi32, #tpu.memory_space<vmem>>
        %dma_start3A_204 = arith.constant 0 : i32
        %dma_start3A_205 = arith.constant 0 : i32
        %dma_start3A_206 = tpu.memref_slice %arg10[%dma_start3A_204, %dma_start3A_205] : memref<10112x128xf32, #tpu.memory_space<vmem_shared>> -> memref<10112x128xf32, #tpu.memory_space<vmem_shared>>
        tpu.enqueue_indirect_dma source(%arg8 : memref<128x128xf32, #tpu.memory_space<vmem>>) target(%dma_start3A_206 : memref<10112x128xf32, #tpu.memory_space<vmem_shared>>) offsets(%dma_start3A_203 : memref<128xi32, #tpu.memory_space<vmem>>) semaphore(%run_scoped3A_200 : memref<!tpu.dma_semaphore, #tpu.memory_space<semaphore_mem>>) {add = true}
        %dma_wait3A_207 = arith.constant 0 : i32
        %dma_wait3A_208 = tpu.memref_slice %arg7[%mul3A_167, %dma_wait3A_207] : memref<40x128xi32, #tpu.memory_space<vmem>> -> memref<1x128xi32, #tpu.memory_space<vmem>>
        %dma_wait3A_209 = tpu.memref_squeeze %dma_wait3A_208 : memref<1x128xi32, #tpu.memory_space<vmem>> -> memref<128xi32, #tpu.memory_space<vmem>>
        %dma_wait3A_210 = arith.constant 0 : i32
        %dma_wait3A_211 = arith.constant 0 : i32
        %dma_wait3A_212 = tpu.memref_slice %arg10[%dma_wait3A_210, %dma_wait3A_211] : memref<10112x128xf32, #tpu.memory_space<vmem_shared>> -> memref<10112x128xf32, #tpu.memory_space<vmem_shared>>
        tpu.wait_indirect_dma semaphore(%run_scoped3A_200 : memref<!tpu.dma_semaphore, #tpu.memory_space<semaphore_mem>>) src(%arg8 : memref<128x128xf32, #tpu.memory_space<vmem>>) dst(%dma_wait3A_212 : memref<10112x128xf32, #tpu.memory_space<vmem_shared>>)
        tpu.yield
      }) : () -> ()
      %add3A_183 = arith.constant 2 : i32
      %add3A_184 = arith.addi %mul3A_167, %add3A_183 : i32
      %dma_start3A_185 = arith.constant 0 : i32
      %dma_start3A_186 = tpu.memref_slice %arg6[%add3A_184, %dma_start3A_185] : memref<40x128xi32, #tpu.memory_space<vmem>> -> memref<1x128xi32, #tpu.memory_space<vmem>>
      %dma_start3A_187 = tpu.memref_squeeze %dma_start3A_186 : memref<1x128xi32, #tpu.memory_space<vmem>> -> memref<128xi32, #tpu.memory_space<vmem>>
      %dma_start3A_188 = arith.constant 0 : i32
      %dma_start3A_189 = arith.constant 0 : i32
      %dma_start3A_190 = tpu.memref_slice %arg4[%dma_start3A_188, %dma_start3A_189] : memref<10000x128xf32, #tpu.memory_space<hbm>> -> memref<10000x128xf32, #tpu.memory_space<hbm>>
      tpu.enqueue_indirect_dma source(%dma_start3A_190 : memref<10000x128xf32, #tpu.memory_space<hbm>>) target(%arg8 : memref<128x128xf32, #tpu.memory_space<vmem>>) offsets(%dma_start3A_187 : memref<128xi32, #tpu.memory_space<vmem>>) semaphore(%arg11 : memref<!tpu.dma_semaphore, #tpu.memory_space<semaphore_mem>>)
      %dma_wait3A_191 = arith.constant 0 : i32
      %dma_wait3A_192 = arith.constant 0 : i32
      %dma_wait3A_193 = tpu.memref_slice %arg6[%dma_wait3A_191, %dma_wait3A_192] : memref<40x128xi32, #tpu.memory_space<vmem>> -> memref<1x128xi32, #tpu.memory_space<vmem>>
      %dma_wait3A_194 = tpu.memref_squeeze %dma_wait3A_193 : memref<1x128xi32, #tpu.memory_space<vmem>> -> memref<128xi32, #tpu.memory_space<vmem>>
      %dma_wait3A_195 = arith.constant 0 : i32
      %dma_wait3A_196 = arith.constant 0 : i32
      %dma_wait3A_197 = tpu.memref_slice %arg4[%dma_wait3A_195, %dma_wait3A_196] : memref<10000x128xf32, #tpu.memory_space<hbm>> -> memref<10000x128xf32, #tpu.memory_space<hbm>>
      tpu.wait_indirect_dma semaphore(%arg12 : memref<!tpu.dma_semaphore, #tpu.memory_space<semaphore_mem>>) src(%dma_wait3A_197 : memref<10000x128xf32, #tpu.memory_space<hbm>>) dst(%arg9 : memref<128x128xf32, #tpu.memory_space<vmem>>)
      %add3A_198 = arith.constant 1 : i32
      %add3A_199 = arith.addi %mul3A_167, %add3A_198 : i32
      "tpu.region"() ({
        %run_scoped3A_200 = tpu.sem_alloc : memref<!tpu.dma_semaphore, #tpu.memory_space<semaphore_mem>>
        %dma_start3A_201 = arith.constant 0 : i32
        %dma_start3A_202 = tpu.memref_slice %arg7[%add3A_199, %dma_start3A_201] : memref<40x128xi32, #tpu.memory_space<vmem>> -> memref<1x128xi32, #tpu.memory_space<vmem>>
        %dma_start3A_203 = tpu.memref_squeeze %dma_start3A_202 : memref<1x128xi32, #tpu.memory_space<vmem>> -> memref<128xi32, #tpu.memory_space<vmem>>
        %dma_start3A_204 = arith.constant 0 : i32
        %dma_start3A_205 = arith.constant 0 : i32
        %dma_start3A_206 = tpu.memref_slice %arg10[%dma_start3A_204, %dma_start3A_205] : memref<10112x128xf32, #tpu.memory_space<vmem_shared>> -> memref<10112x128xf32, #tpu.memory_space<vmem_shared>>
        tpu.enqueue_indirect_dma source(%arg9 : memref<128x128xf32, #tpu.memory_space<vmem>>) target(%dma_start3A_206 : memref<10112x128xf32, #tpu.memory_space<vmem_shared>>) offsets(%dma_start3A_203 : memref<128xi32, #tpu.memory_space<vmem>>) semaphore(%run_scoped3A_200 : memref<!tpu.dma_semaphore, #tpu.memory_space<semaphore_mem>>) {add = true}
        %dma_wait3A_207 = arith.constant 0 : i32
        %dma_wait3A_208 = tpu.memref_slice %arg7[%add3A_199, %dma_wait3A_207] : memref<40x128xi32, #tpu.memory_space<vmem>> -> memref<1x128xi32, #tpu.memory_space<vmem>>
        %dma_wait3A_209 = tpu.memref_squeeze %dma_wait3A_208 : memref<1x128xi32, #tpu.memory_space<vmem>> -> memref<128xi32, #tpu.memory_space<vmem>>
        %dma_wait3A_210 = arith.constant 0 : i32
        %dma_wait3A_211 = arith.constant 0 : i32
        %dma_wait3A_212 = tpu.memref_slice %arg10[%dma_wait3A_210, %dma_wait3A_211] : memref<10112x128xf32, #tpu.memory_space<vmem_shared>> -> memref<10112x128xf32, #tpu.memory_space<vmem_shared>>
        tpu.wait_indirect_dma semaphore(%run_scoped3A_200 : memref<!tpu.dma_semaphore, #tpu.memory_space<semaphore_mem>>) src(%arg9 : memref<128x128xf32, #tpu.memory_space<vmem>>) dst(%dma_wait3A_212 : memref<10112x128xf32, #tpu.memory_space<vmem_shared>>)
        tpu.yield
      }) : () -> ()
    }
    %scan3A_58 = arith.constant 19 : i32
    %dma_wait3A_59 = arith.constant 0 : i32
    %dma_wait3A_60 = arith.constant 0 : i32
    %dma_wait3A_61 = tpu.memref_slice %arg6[%dma_wait3A_59, %dma_wait3A_60] : memref<40x128xi32, #tpu.memory_space<vmem>> -> memref<1x128xi32, #tpu.memory_space<vmem>>
    %dma_wait3A_62 = tpu.memref_squeeze %dma_wait3A_61 : memref<1x128xi32, #tpu.memory_space<vmem>> -> memref<128xi32, #tpu.memory_space<vmem>>
    %dma_wait3A_63 = arith.constant 0 : i32
    %dma_wait3A_64 = arith.constant 0 : i32
    %dma_wait3A_65 = tpu.memref_slice %arg4[%dma_wait3A_63, %dma_wait3A_64] : memref<10000x128xf32, #tpu.memory_space<hbm>> -> memref<10000x128xf32, #tpu.memory_space<hbm>>
    tpu.wait_indirect_dma semaphore(%arg11 : memref<!tpu.dma_semaphore, #tpu.memory_space<semaphore_mem>>) src(%dma_wait3A_65 : memref<10000x128xf32, #tpu.memory_space<hbm>>) dst(%arg8 : memref<128x128xf32, #tpu.memory_space<vmem>>)
    %dma_start3A_66 = arith.constant 39 : i32
    %dma_start3A_67 = arith.constant 0 : i32
    %dma_start3A_68 = tpu.memref_slice %arg6[%dma_start3A_66, %dma_start3A_67] : memref<40x128xi32, #tpu.memory_space<vmem>> -> memref<1x128xi32, #tpu.memory_space<vmem>>
    %dma_start3A_69 = tpu.memref_squeeze %dma_start3A_68 : memref<1x128xi32, #tpu.memory_space<vmem>> -> memref<128xi32, #tpu.memory_space<vmem>>
    %dma_start3A_70 = arith.constant 0 : i32
    %dma_start3A_71 = arith.constant 0 : i32
    %dma_start3A_72 = tpu.memref_slice %arg4[%dma_start3A_70, %dma_start3A_71] : memref<10000x128xf32, #tpu.memory_space<hbm>> -> memref<10000x128xf32, #tpu.memory_space<hbm>>
    tpu.enqueue_indirect_dma source(%dma_start3A_72 : memref<10000x128xf32, #tpu.memory_space<hbm>>) target(%arg9 : memref<128x128xf32, #tpu.memory_space<vmem>>) offsets(%dma_start3A_69 : memref<128xi32, #tpu.memory_space<vmem>>) semaphore(%arg12 : memref<!tpu.dma_semaphore, #tpu.memory_space<semaphore_mem>>)
    %run_scoped3A = arith.constant 38 : i32
    "tpu.region"() ({
      %run_scoped3A_161 = tpu.sem_alloc : memref<!tpu.dma_semaphore, #tpu.memory_space<semaphore_mem>>
      %dma_start3A_162 = arith.constant 0 : i32
      %dma_start3A_163 = tpu.memref_slice %arg7[%run_scoped3A, %dma_start3A_162] : memref<40x128xi32, #tpu.memory_space<vmem>> -> memref<1x128xi32, #tpu.memory_space<vmem>>
      %dma_start3A_164 = tpu.memref_squeeze %dma_start3A_163 : memref<1x128xi32, #tpu.memory_space<vmem>> -> memref<128xi32, #tpu.memory_space<vmem>>
      %dma_start3A_165 = arith.constant 0 : i32
      %dma_start3A_166 = arith.constant 0 : i32
      %dma_start3A_167 = tpu.memref_slice %arg10[%dma_start3A_165, %dma_start3A_166] : memref<10112x128xf32, #tpu.memory_space<vmem_shared>> -> memref<10112x128xf32, #tpu.memory_space<vmem_shared>>
      tpu.enqueue_indirect_dma source(%arg8 : memref<128x128xf32, #tpu.memory_space<vmem>>) target(%dma_start3A_167 : memref<10112x128xf32, #tpu.memory_space<vmem_shared>>) offsets(%dma_start3A_164 : memref<128xi32, #tpu.memory_space<vmem>>) semaphore(%run_scoped3A_161 : memref<!tpu.dma_semaphore, #tpu.memory_space<semaphore_mem>>) {add = true}
      %dma_wait3A_168 = arith.constant 0 : i32
      %dma_wait3A_169 = tpu.memref_slice %arg7[%run_scoped3A, %dma_wait3A_168] : memref<40x128xi32, #tpu.memory_space<vmem>> -> memref<1x128xi32, #tpu.memory_space<vmem>>
      %dma_wait3A_170 = tpu.memref_squeeze %dma_wait3A_169 : memref<1x128xi32, #tpu.memory_space<vmem>> -> memref<128xi32, #tpu.memory_space<vmem>>
      %dma_wait3A_171 = arith.constant 0 : i32
      %dma_wait3A_172 = arith.constant 0 : i32
      %dma_wait3A_173 = tpu.memref_slice %arg10[%dma_wait3A_171, %dma_wait3A_172] : memref<10112x128xf32, #tpu.memory_space<vmem_shared>> -> memref<10112x128xf32, #tpu.memory_space<vmem_shared>>
      tpu.wait_indirect_dma semaphore(%run_scoped3A_161 : memref<!tpu.dma_semaphore, #tpu.memory_space<semaphore_mem>>) src(%arg8 : memref<128x128xf32, #tpu.memory_space<vmem>>) dst(%dma_wait3A_173 : memref<10112x128xf32, #tpu.memory_space<vmem_shared>>)
      tpu.yield
    }) : () -> ()
    %dma_wait3A_73 = arith.constant 0 : i32
    %dma_wait3A_74 = arith.constant 0 : i32
    %dma_wait3A_75 = tpu.memref_slice %arg6[%dma_wait3A_73, %dma_wait3A_74] : memref<40x128xi32, #tpu.memory_space<vmem>> -> memref<1x128xi32, #tpu.memory_space<vmem>>
    %dma_wait3A_76 = tpu.memref_squeeze %dma_wait3A_75 : memref<1x128xi32, #tpu.memory_space<vmem>> -> memref<128xi32, #tpu.memory_space<vmem>>
    %dma_wait3A_77 = arith.constant 0 : i32
    %dma_wait3A_78 = arith.constant 0 : i32
    %dma_wait3A_79 = tpu.memref_slice %arg4[%dma_wait3A_77, %dma_wait3A_78] : memref<10000x128xf32, #tpu.memory_space<hbm>> -> memref<10000x128xf32, #tpu.memory_space<hbm>>
    tpu.wait_indirect_dma semaphore(%arg12 : memref<!tpu.dma_semaphore, #tpu.memory_space<semaphore_mem>>) src(%dma_wait3A_79 : memref<10000x128xf32, #tpu.memory_space<hbm>>) dst(%arg9 : memref<128x128xf32, #tpu.memory_space<vmem>>)
    %run_scoped3A_80 = arith.constant 39 : i32
    "tpu.region"() ({
      %run_scoped3A_161 = tpu.sem_alloc : memref<!tpu.dma_semaphore, #tpu.memory_space<semaphore_mem>>
      %dma_start3A_162 = arith.constant 0 : i32
      %dma_start3A_163 = tpu.memref_slice %arg7[%run_scoped3A_80, %dma_start3A_162] : memref<40x128xi32, #tpu.memory_space<vmem>> -> memref<1x128xi32, #tpu.memory_space<vmem>>
      %dma_start3A_164 = tpu.memref_squeeze %dma_start3A_163 : memref<1x128xi32, #tpu.memory_space<vmem>> -> memref<128xi32, #tpu.memory_space<vmem>>
      %dma_start3A_165 = arith.constant 0 : i32
      %dma_start3A_166 = arith.constant 0 : i32
      %dma_start3A_167 = tpu.memref_slice %arg10[%dma_start3A_165, %dma_start3A_166] : memref<10112x128xf32, #tpu.memory_space<vmem_shared>> -> memref<10112x128xf32, #tpu.memory_space<vmem_shared>>
      tpu.enqueue_indirect_dma source(%arg9 : memref<128x128xf32, #tpu.memory_space<vmem>>) target(%dma_start3A_167 : memref<10112x128xf32, #tpu.memory_space<vmem_shared>>) offsets(%dma_start3A_164 : memref<128xi32, #tpu.memory_space<vmem>>) semaphore(%run_scoped3A_161 : memref<!tpu.dma_semaphore, #tpu.memory_space<semaphore_mem>>) {add = true}
      %dma_wait3A_168 = arith.constant 0 : i32
      %dma_wait3A_169 = tpu.memref_slice %arg7[%run_scoped3A_80, %dma_wait3A_168] : memref<40x128xi32, #tpu.memory_space<vmem>> -> memref<1x128xi32, #tpu.memory_space<vmem>>
      %dma_wait3A_170 = tpu.memref_squeeze %dma_wait3A_169 : memref<1x128xi32, #tpu.memory_space<vmem>> -> memref<128xi32, #tpu.memory_space<vmem>>
      %dma_wait3A_171 = arith.constant 0 : i32
      %dma_wait3A_172 = arith.constant 0 : i32
      %dma_wait3A_173 = tpu.memref_slice %arg10[%dma_wait3A_171, %dma_wait3A_172] : memref<10112x128xf32, #tpu.memory_space<vmem_shared>> -> memref<10112x128xf32, #tpu.memory_space<vmem_shared>>
      tpu.wait_indirect_dma semaphore(%run_scoped3A_161 : memref<!tpu.dma_semaphore, #tpu.memory_space<semaphore_mem>>) src(%arg9 : memref<128x128xf32, #tpu.memory_space<vmem>>) dst(%dma_wait3A_173 : memref<10112x128xf32, #tpu.memory_space<vmem_shared>>)
      tpu.yield
    }) : () -> ()
    %mul3A_81 = arith.constant 80 : i32
    %mul3A_82 = arith.muli %add3A, %mul3A_81 : i32
    %add3A_83 = arith.constant 40 : i32
    %add3A_84 = arith.addi %mul3A_82, %add3A_83 : i32
    %dma_start3A_85 = arith.constant 0 : i32
    %dma_start3A_86 = tpu.memref_slice %arg2[%add3A_84, %dma_start3A_85] : memref<2560x128xi32, #tpu.memory_space<hbm>> -> memref<40x128xi32, #tpu.memory_space<hbm>>
    %dma_start3A_87 = arith.constant 0 : i32
    %dma_start3A_88 = tpu.memref_slice %arg2[%add3A_84, %dma_start3A_87] : memref<2560x128xi32, #tpu.memory_space<hbm>> -> memref<40x128xi32, #tpu.memory_space<hbm>>
    tpu.enqueue_dma source(%dma_start3A_88 : memref<40x128xi32, #tpu.memory_space<hbm>>) target(%arg6 : memref<40x128xi32, #tpu.memory_space<vmem>>) target_semaphore(%arg13 : memref<!tpu.dma_semaphore, #tpu.memory_space<semaphore_mem>>)
    %mul3A_89 = arith.constant 80 : i32
    %mul3A_90 = arith.muli %add3A, %mul3A_89 : i32
    %add3A_91 = arith.constant 40 : i32
    %add3A_92 = arith.addi %mul3A_90, %add3A_91 : i32
    %dma_start3A_93 = arith.constant 0 : i32
    %dma_start3A_94 = tpu.memref_slice %arg3[%add3A_92, %dma_start3A_93] : memref<2560x128xi32, #tpu.memory_space<hbm>> -> memref<40x128xi32, #tpu.memory_space<hbm>>
    %dma_start3A_95 = arith.constant 0 : i32
    %dma_start3A_96 = tpu.memref_slice %arg3[%add3A_92, %dma_start3A_95] : memref<2560x128xi32, #tpu.memory_space<hbm>> -> memref<40x128xi32, #tpu.memory_space<hbm>>
    tpu.enqueue_dma source(%dma_start3A_96 : memref<40x128xi32, #tpu.memory_space<hbm>>) target(%arg7 : memref<40x128xi32, #tpu.memory_space<vmem>>) target_semaphore(%arg13 : memref<!tpu.dma_semaphore, #tpu.memory_space<semaphore_mem>>)
    %dma_wait3A_97 = arith.constant 0 : i32
    %dma_wait3A_98 = tpu.memref_slice %arg2[%add3A_84, %dma_wait3A_97] : memref<2560x128xi32, #tpu.memory_space<hbm>> -> memref<40x128xi32, #tpu.memory_space<hbm>>
    %dma_wait3A_99 = arith.constant 0 : i32
    %dma_wait3A_100 = tpu.memref_slice %arg2[%add3A_84, %dma_wait3A_99] : memref<2560x128xi32, #tpu.memory_space<hbm>> -> memref<40x128xi32, #tpu.memory_space<hbm>>
    tpu.wait_dma2 semaphore(%arg13 : memref<!tpu.dma_semaphore, #tpu.memory_space<semaphore_mem>>) src(%dma_wait3A_100 : memref<40x128xi32, #tpu.memory_space<hbm>>) dst(%arg6 : memref<40x128xi32, #tpu.memory_space<vmem>>)
    %dma_wait3A_101 = arith.constant 0 : i32
    %dma_wait3A_102 = tpu.memref_slice %arg3[%add3A_92, %dma_wait3A_101] : memref<2560x128xi32, #tpu.memory_space<hbm>> -> memref<40x128xi32, #tpu.memory_space<hbm>>
    %dma_wait3A_103 = arith.constant 0 : i32
    %dma_wait3A_104 = tpu.memref_slice %arg3[%add3A_92, %dma_wait3A_103] : memref<2560x128xi32, #tpu.memory_space<hbm>> -> memref<40x128xi32, #tpu.memory_space<hbm>>
    tpu.wait_dma2 semaphore(%arg13 : memref<!tpu.dma_semaphore, #tpu.memory_space<semaphore_mem>>) src(%dma_wait3A_104 : memref<40x128xi32, #tpu.memory_space<hbm>>) dst(%arg7 : memref<40x128xi32, #tpu.memory_space<vmem>>)
    %dma_start3A_105 = arith.constant 0 : i32
    %dma_start3A_106 = arith.constant 0 : i32
    %dma_start3A_107 = tpu.memref_slice %arg6[%dma_start3A_105, %dma_start3A_106] : memref<40x128xi32, #tpu.memory_space<vmem>> -> memref<1x128xi32, #tpu.memory_space<vmem>>
    %dma_start3A_108 = tpu.memref_squeeze %dma_start3A_107 : memref<1x128xi32, #tpu.memory_space<vmem>> -> memref<128xi32, #tpu.memory_space<vmem>>
    %dma_start3A_109 = arith.constant 0 : i32
    %dma_start3A_110 = arith.constant 0 : i32
    %dma_start3A_111 = tpu.memref_slice %arg4[%dma_start3A_109, %dma_start3A_110] : memref<10000x128xf32, #tpu.memory_space<hbm>> -> memref<10000x128xf32, #tpu.memory_space<hbm>>
    tpu.enqueue_indirect_dma source(%dma_start3A_111 : memref<10000x128xf32, #tpu.memory_space<hbm>>) target(%arg8 : memref<128x128xf32, #tpu.memory_space<vmem>>) offsets(%dma_start3A_108 : memref<128xi32, #tpu.memory_space<vmem>>) semaphore(%arg11 : memref<!tpu.dma_semaphore, #tpu.memory_space<semaphore_mem>>)
    %scan3A_112 = arith.constant 0 : i32
    %scan3A_113 = arith.constant 19 : i32
    %scan3A_114 = arith.addi %scan3A_112, %scan3A_113 : i32
    %scan3A_115 = arith.constant 1 : i32
    scf.for %scan3A_161 = %scan3A_112 to %scan3A_114 step %scan3A_115  : i32 {
      %mul3A_162 = arith.constant 1 : i32
      %mul3A_163 = arith.muli %scan3A_161, %mul3A_162 : i32
      %add3A_164 = arith.constant 0 : i32
      %add3A_165 = arith.addi %add3A_164, %mul3A_163 : i32
      %mul3A_166 = arith.constant 2 : i32
      %mul3A_167 = arith.muli %mul3A_166, %add3A_165 : i32
      %dma_wait3A_168 = arith.constant 0 : i32
      %dma_wait3A_169 = arith.constant 0 : i32
      %dma_wait3A_170 = tpu.memref_slice %arg6[%dma_wait3A_168, %dma_wait3A_169] : memref<40x128xi32, #tpu.memory_space<vmem>> -> memref<1x128xi32, #tpu.memory_space<vmem>>
      %dma_wait3A_171 = tpu.memref_squeeze %dma_wait3A_170 : memref<1x128xi32, #tpu.memory_space<vmem>> -> memref<128xi32, #tpu.memory_space<vmem>>
      %dma_wait3A_172 = arith.constant 0 : i32
      %dma_wait3A_173 = arith.constant 0 : i32
      %dma_wait3A_174 = tpu.memref_slice %arg4[%dma_wait3A_172, %dma_wait3A_173] : memref<10000x128xf32, #tpu.memory_space<hbm>> -> memref<10000x128xf32, #tpu.memory_space<hbm>>
      tpu.wait_indirect_dma semaphore(%arg11 : memref<!tpu.dma_semaphore, #tpu.memory_space<semaphore_mem>>) src(%dma_wait3A_174 : memref<10000x128xf32, #tpu.memory_space<hbm>>) dst(%arg8 : memref<128x128xf32, #tpu.memory_space<vmem>>)
      %add3A_175 = arith.constant 1 : i32
      %add3A_176 = arith.addi %mul3A_167, %add3A_175 : i32
      %dma_start3A_177 = arith.constant 0 : i32
      %dma_start3A_178 = tpu.memref_slice %arg6[%add3A_176, %dma_start3A_177] : memref<40x128xi32, #tpu.memory_space<vmem>> -> memref<1x128xi32, #tpu.memory_space<vmem>>
      %dma_start3A_179 = tpu.memref_squeeze %dma_start3A_178 : memref<1x128xi32, #tpu.memory_space<vmem>> -> memref<128xi32, #tpu.memory_space<vmem>>
      %dma_start3A_180 = arith.constant 0 : i32
      %dma_start3A_181 = arith.constant 0 : i32
      %dma_start3A_182 = tpu.memref_slice %arg4[%dma_start3A_180, %dma_start3A_181] : memref<10000x128xf32, #tpu.memory_space<hbm>> -> memref<10000x128xf32, #tpu.memory_space<hbm>>
      tpu.enqueue_indirect_dma source(%dma_start3A_182 : memref<10000x128xf32, #tpu.memory_space<hbm>>) target(%arg9 : memref<128x128xf32, #tpu.memory_space<vmem>>) offsets(%dma_start3A_179 : memref<128xi32, #tpu.memory_space<vmem>>) semaphore(%arg12 : memref<!tpu.dma_semaphore, #tpu.memory_space<semaphore_mem>>)
      "tpu.region"() ({
        %run_scoped3A_200 = tpu.sem_alloc : memref<!tpu.dma_semaphore, #tpu.memory_space<semaphore_mem>>
        %dma_start3A_201 = arith.constant 0 : i32
        %dma_start3A_202 = tpu.memref_slice %arg7[%mul3A_167, %dma_start3A_201] : memref<40x128xi32, #tpu.memory_space<vmem>> -> memref<1x128xi32, #tpu.memory_space<vmem>>
        %dma_start3A_203 = tpu.memref_squeeze %dma_start3A_202 : memref<1x128xi32, #tpu.memory_space<vmem>> -> memref<128xi32, #tpu.memory_space<vmem>>
        %dma_start3A_204 = arith.constant 0 : i32
        %dma_start3A_205 = arith.constant 0 : i32
        %dma_start3A_206 = tpu.memref_slice %arg10[%dma_start3A_204, %dma_start3A_205] : memref<10112x128xf32, #tpu.memory_space<vmem_shared>> -> memref<10112x128xf32, #tpu.memory_space<vmem_shared>>
        tpu.enqueue_indirect_dma source(%arg8 : memref<128x128xf32, #tpu.memory_space<vmem>>) target(%dma_start3A_206 : memref<10112x128xf32, #tpu.memory_space<vmem_shared>>) offsets(%dma_start3A_203 : memref<128xi32, #tpu.memory_space<vmem>>) semaphore(%run_scoped3A_200 : memref<!tpu.dma_semaphore, #tpu.memory_space<semaphore_mem>>) {add = true}
        %dma_wait3A_207 = arith.constant 0 : i32
        %dma_wait3A_208 = tpu.memref_slice %arg7[%mul3A_167, %dma_wait3A_207] : memref<40x128xi32, #tpu.memory_space<vmem>> -> memref<1x128xi32, #tpu.memory_space<vmem>>
        %dma_wait3A_209 = tpu.memref_squeeze %dma_wait3A_208 : memref<1x128xi32, #tpu.memory_space<vmem>> -> memref<128xi32, #tpu.memory_space<vmem>>
        %dma_wait3A_210 = arith.constant 0 : i32
        %dma_wait3A_211 = arith.constant 0 : i32
        %dma_wait3A_212 = tpu.memref_slice %arg10[%dma_wait3A_210, %dma_wait3A_211] : memref<10112x128xf32, #tpu.memory_space<vmem_shared>> -> memref<10112x128xf32, #tpu.memory_space<vmem_shared>>
        tpu.wait_indirect_dma semaphore(%run_scoped3A_200 : memref<!tpu.dma_semaphore, #tpu.memory_space<semaphore_mem>>) src(%arg8 : memref<128x128xf32, #tpu.memory_space<vmem>>) dst(%dma_wait3A_212 : memref<10112x128xf32, #tpu.memory_space<vmem_shared>>)
        tpu.yield
      }) : () -> ()
      %add3A_183 = arith.constant 2 : i32
      %add3A_184 = arith.addi %mul3A_167, %add3A_183 : i32
      %dma_start3A_185 = arith.constant 0 : i32
      %dma_start3A_186 = tpu.memref_slice %arg6[%add3A_184, %dma_start3A_185] : memref<40x128xi32, #tpu.memory_space<vmem>> -> memref<1x128xi32, #tpu.memory_space<vmem>>
      %dma_start3A_187 = tpu.memref_squeeze %dma_start3A_186 : memref<1x128xi32, #tpu.memory_space<vmem>> -> memref<128xi32, #tpu.memory_space<vmem>>
      %dma_start3A_188 = arith.constant 0 : i32
      %dma_start3A_189 = arith.constant 0 : i32
      %dma_start3A_190 = tpu.memref_slice %arg4[%dma_start3A_188, %dma_start3A_189] : memref<10000x128xf32, #tpu.memory_space<hbm>> -> memref<10000x128xf32, #tpu.memory_space<hbm>>
      tpu.enqueue_indirect_dma source(%dma_start3A_190 : memref<10000x128xf32, #tpu.memory_space<hbm>>) target(%arg8 : memref<128x128xf32, #tpu.memory_space<vmem>>) offsets(%dma_start3A_187 : memref<128xi32, #tpu.memory_space<vmem>>) semaphore(%arg11 : memref<!tpu.dma_semaphore, #tpu.memory_space<semaphore_mem>>)
      %dma_wait3A_191 = arith.constant 0 : i32
      %dma_wait3A_192 = arith.constant 0 : i32
      %dma_wait3A_193 = tpu.memref_slice %arg6[%dma_wait3A_191, %dma_wait3A_192] : memref<40x128xi32, #tpu.memory_space<vmem>> -> memref<1x128xi32, #tpu.memory_space<vmem>>
      %dma_wait3A_194 = tpu.memref_squeeze %dma_wait3A_193 : memref<1x128xi32, #tpu.memory_space<vmem>> -> memref<128xi32, #tpu.memory_space<vmem>>
      %dma_wait3A_195 = arith.constant 0 : i32
      %dma_wait3A_196 = arith.constant 0 : i32
      %dma_wait3A_197 = tpu.memref_slice %arg4[%dma_wait3A_195, %dma_wait3A_196] : memref<10000x128xf32, #tpu.memory_space<hbm>> -> memref<10000x128xf32, #tpu.memory_space<hbm>>
      tpu.wait_indirect_dma semaphore(%arg12 : memref<!tpu.dma_semaphore, #tpu.memory_space<semaphore_mem>>) src(%dma_wait3A_197 : memref<10000x128xf32, #tpu.memory_space<hbm>>) dst(%arg9 : memref<128x128xf32, #tpu.memory_space<vmem>>)
      %add3A_198 = arith.constant 1 : i32
      %add3A_199 = arith.addi %mul3A_167, %add3A_198 : i32
      "tpu.region"() ({
        %run_scoped3A_200 = tpu.sem_alloc : memref<!tpu.dma_semaphore, #tpu.memory_space<semaphore_mem>>
        %dma_start3A_201 = arith.constant 0 : i32
        %dma_start3A_202 = tpu.memref_slice %arg7[%add3A_199, %dma_start3A_201] : memref<40x128xi32, #tpu.memory_space<vmem>> -> memref<1x128xi32, #tpu.memory_space<vmem>>
        %dma_start3A_203 = tpu.memref_squeeze %dma_start3A_202 : memref<1x128xi32, #tpu.memory_space<vmem>> -> memref<128xi32, #tpu.memory_space<vmem>>
        %dma_start3A_204 = arith.constant 0 : i32
        %dma_start3A_205 = arith.constant 0 : i32
        %dma_start3A_206 = tpu.memref_slice %arg10[%dma_start3A_204, %dma_start3A_205] : memref<10112x128xf32, #tpu.memory_space<vmem_shared>> -> memref<10112x128xf32, #tpu.memory_space<vmem_shared>>
        tpu.enqueue_indirect_dma source(%arg9 : memref<128x128xf32, #tpu.memory_space<vmem>>) target(%dma_start3A_206 : memref<10112x128xf32, #tpu.memory_space<vmem_shared>>) offsets(%dma_start3A_203 : memref<128xi32, #tpu.memory_space<vmem>>) semaphore(%run_scoped3A_200 : memref<!tpu.dma_semaphore, #tpu.memory_space<semaphore_mem>>) {add = true}
        %dma_wait3A_207 = arith.constant 0 : i32
        %dma_wait3A_208 = tpu.memref_slice %arg7[%add3A_199, %dma_wait3A_207] : memref<40x128xi32, #tpu.memory_space<vmem>> -> memref<1x128xi32, #tpu.memory_space<vmem>>
        %dma_wait3A_209 = tpu.memref_squeeze %dma_wait3A_208 : memref<1x128xi32, #tpu.memory_space<vmem>> -> memref<128xi32, #tpu.memory_space<vmem>>
        %dma_wait3A_210 = arith.constant 0 : i32
        %dma_wait3A_211 = arith.constant 0 : i32
        %dma_wait3A_212 = tpu.memref_slice %arg10[%dma_wait3A_210, %dma_wait3A_211] : memref<10112x128xf32, #tpu.memory_space<vmem_shared>> -> memref<10112x128xf32, #tpu.memory_space<vmem_shared>>
        tpu.wait_indirect_dma semaphore(%run_scoped3A_200 : memref<!tpu.dma_semaphore, #tpu.memory_space<semaphore_mem>>) src(%arg9 : memref<128x128xf32, #tpu.memory_space<vmem>>) dst(%dma_wait3A_212 : memref<10112x128xf32, #tpu.memory_space<vmem_shared>>)
        tpu.yield
      }) : () -> ()
    }
    %scan3A_116 = arith.constant 19 : i32
    %dma_wait3A_117 = arith.constant 0 : i32
    %dma_wait3A_118 = arith.constant 0 : i32
    %dma_wait3A_119 = tpu.memref_slice %arg6[%dma_wait3A_117, %dma_wait3A_118] : memref<40x128xi32, #tpu.memory_space<vmem>> -> memref<1x128xi32, #tpu.memory_space<vmem>>
    %dma_wait3A_120 = tpu.memref_squeeze %dma_wait3A_119 : memref<1x128xi32, #tpu.memory_space<vmem>> -> memref<128xi32, #tpu.memory_space<vmem>>
    %dma_wait3A_121 = arith.constant 0 : i32
    %dma_wait3A_122 = arith.constant 0 : i32
    %dma_wait3A_123 = tpu.memref_slice %arg4[%dma_wait3A_121, %dma_wait3A_122] : memref<10000x128xf32, #tpu.memory_space<hbm>> -> memref<10000x128xf32, #tpu.memory_space<hbm>>
    tpu.wait_indirect_dma semaphore(%arg11 : memref<!tpu.dma_semaphore, #tpu.memory_space<semaphore_mem>>) src(%dma_wait3A_123 : memref<10000x128xf32, #tpu.memory_space<hbm>>) dst(%arg8 : memref<128x128xf32, #tpu.memory_space<vmem>>)
    %dma_start3A_124 = arith.constant 39 : i32
    %dma_start3A_125 = arith.constant 0 : i32
    %dma_start3A_126 = tpu.memref_slice %arg6[%dma_start3A_124, %dma_start3A_125] : memref<40x128xi32, #tpu.memory_space<vmem>> -> memref<1x128xi32, #tpu.memory_space<vmem>>
    %dma_start3A_127 = tpu.memref_squeeze %dma_start3A_126 : memref<1x128xi32, #tpu.memory_space<vmem>> -> memref<128xi32, #tpu.memory_space<vmem>>
    %dma_start3A_128 = arith.constant 0 : i32
    %dma_start3A_129 = arith.constant 0 : i32
    %dma_start3A_130 = tpu.memref_slice %arg4[%dma_start3A_128, %dma_start3A_129] : memref<10000x128xf32, #tpu.memory_space<hbm>> -> memref<10000x128xf32, #tpu.memory_space<hbm>>
    tpu.enqueue_indirect_dma source(%dma_start3A_130 : memref<10000x128xf32, #tpu.memory_space<hbm>>) target(%arg9 : memref<128x128xf32, #tpu.memory_space<vmem>>) offsets(%dma_start3A_127 : memref<128xi32, #tpu.memory_space<vmem>>) semaphore(%arg12 : memref<!tpu.dma_semaphore, #tpu.memory_space<semaphore_mem>>)
    %run_scoped3A_131 = arith.constant 38 : i32
    "tpu.region"() ({
      %run_scoped3A_161 = tpu.sem_alloc : memref<!tpu.dma_semaphore, #tpu.memory_space<semaphore_mem>>
      %dma_start3A_162 = arith.constant 0 : i32
      %dma_start3A_163 = tpu.memref_slice %arg7[%run_scoped3A_131, %dma_start3A_162] : memref<40x128xi32, #tpu.memory_space<vmem>> -> memref<1x128xi32, #tpu.memory_space<vmem>>
      %dma_start3A_164 = tpu.memref_squeeze %dma_start3A_163 : memref<1x128xi32, #tpu.memory_space<vmem>> -> memref<128xi32, #tpu.memory_space<vmem>>
      %dma_start3A_165 = arith.constant 0 : i32
      %dma_start3A_166 = arith.constant 0 : i32
      %dma_start3A_167 = tpu.memref_slice %arg10[%dma_start3A_165, %dma_start3A_166] : memref<10112x128xf32, #tpu.memory_space<vmem_shared>> -> memref<10112x128xf32, #tpu.memory_space<vmem_shared>>
      tpu.enqueue_indirect_dma source(%arg8 : memref<128x128xf32, #tpu.memory_space<vmem>>) target(%dma_start3A_167 : memref<10112x128xf32, #tpu.memory_space<vmem_shared>>) offsets(%dma_start3A_164 : memref<128xi32, #tpu.memory_space<vmem>>) semaphore(%run_scoped3A_161 : memref<!tpu.dma_semaphore, #tpu.memory_space<semaphore_mem>>) {add = true}
      %dma_wait3A_168 = arith.constant 0 : i32
      %dma_wait3A_169 = tpu.memref_slice %arg7[%run_scoped3A_131, %dma_wait3A_168] : memref<40x128xi32, #tpu.memory_space<vmem>> -> memref<1x128xi32, #tpu.memory_space<vmem>>
      %dma_wait3A_170 = tpu.memref_squeeze %dma_wait3A_169 : memref<1x128xi32, #tpu.memory_space<vmem>> -> memref<128xi32, #tpu.memory_space<vmem>>
      %dma_wait3A_171 = arith.constant 0 : i32
      %dma_wait3A_172 = arith.constant 0 : i32
      %dma_wait3A_173 = tpu.memref_slice %arg10[%dma_wait3A_171, %dma_wait3A_172] : memref<10112x128xf32, #tpu.memory_space<vmem_shared>> -> memref<10112x128xf32, #tpu.memory_space<vmem_shared>>
      tpu.wait_indirect_dma semaphore(%run_scoped3A_161 : memref<!tpu.dma_semaphore, #tpu.memory_space<semaphore_mem>>) src(%arg8 : memref<128x128xf32, #tpu.memory_space<vmem>>) dst(%dma_wait3A_173 : memref<10112x128xf32, #tpu.memory_space<vmem_shared>>)
      tpu.yield
    }) : () -> ()
    %dma_wait3A_132 = arith.constant 0 : i32
    %dma_wait3A_133 = arith.constant 0 : i32
    %dma_wait3A_134 = tpu.memref_slice %arg6[%dma_wait3A_132, %dma_wait3A_133] : memref<40x128xi32, #tpu.memory_space<vmem>> -> memref<1x128xi32, #tpu.memory_space<vmem>>
    %dma_wait3A_135 = tpu.memref_squeeze %dma_wait3A_134 : memref<1x128xi32, #tpu.memory_space<vmem>> -> memref<128xi32, #tpu.memory_space<vmem>>
    %dma_wait3A_136 = arith.constant 0 : i32
    %dma_wait3A_137 = arith.constant 0 : i32
    %dma_wait3A_138 = tpu.memref_slice %arg4[%dma_wait3A_136, %dma_wait3A_137] : memref<10000x128xf32, #tpu.memory_space<hbm>> -> memref<10000x128xf32, #tpu.memory_space<hbm>>
    tpu.wait_indirect_dma semaphore(%arg12 : memref<!tpu.dma_semaphore, #tpu.memory_space<semaphore_mem>>) src(%dma_wait3A_138 : memref<10000x128xf32, #tpu.memory_space<hbm>>) dst(%arg9 : memref<128x128xf32, #tpu.memory_space<vmem>>)
    %run_scoped3A_139 = arith.constant 39 : i32
    "tpu.region"() ({
      %run_scoped3A_161 = tpu.sem_alloc : memref<!tpu.dma_semaphore, #tpu.memory_space<semaphore_mem>>
      %dma_start3A_162 = arith.constant 0 : i32
      %dma_start3A_163 = tpu.memref_slice %arg7[%run_scoped3A_139, %dma_start3A_162] : memref<40x128xi32, #tpu.memory_space<vmem>> -> memref<1x128xi32, #tpu.memory_space<vmem>>
      %dma_start3A_164 = tpu.memref_squeeze %dma_start3A_163 : memref<1x128xi32, #tpu.memory_space<vmem>> -> memref<128xi32, #tpu.memory_space<vmem>>
      %dma_start3A_165 = arith.constant 0 : i32
      %dma_start3A_166 = arith.constant 0 : i32
      %dma_start3A_167 = tpu.memref_slice %arg10[%dma_start3A_165, %dma_start3A_166] : memref<10112x128xf32, #tpu.memory_space<vmem_shared>> -> memref<10112x128xf32, #tpu.memory_space<vmem_shared>>
      tpu.enqueue_indirect_dma source(%arg9 : memref<128x128xf32, #tpu.memory_space<vmem>>) target(%dma_start3A_167 : memref<10112x128xf32, #tpu.memory_space<vmem_shared>>) offsets(%dma_start3A_164 : memref<128xi32, #tpu.memory_space<vmem>>) semaphore(%run_scoped3A_161 : memref<!tpu.dma_semaphore, #tpu.memory_space<semaphore_mem>>) {add = true}
      %dma_wait3A_168 = arith.constant 0 : i32
      %dma_wait3A_169 = tpu.memref_slice %arg7[%run_scoped3A_139, %dma_wait3A_168] : memref<40x128xi32, #tpu.memory_space<vmem>> -> memref<1x128xi32, #tpu.memory_space<vmem>>
      %dma_wait3A_170 = tpu.memref_squeeze %dma_wait3A_169 : memref<1x128xi32, #tpu.memory_space<vmem>> -> memref<128xi32, #tpu.memory_space<vmem>>
      %dma_wait3A_171 = arith.constant 0 : i32
      %dma_wait3A_172 = arith.constant 0 : i32
      %dma_wait3A_173 = tpu.memref_slice %arg10[%dma_wait3A_171, %dma_wait3A_172] : memref<10112x128xf32, #tpu.memory_space<vmem_shared>> -> memref<10112x128xf32, #tpu.memory_space<vmem_shared>>
      tpu.wait_indirect_dma semaphore(%run_scoped3A_161 : memref<!tpu.dma_semaphore, #tpu.memory_space<semaphore_mem>>) src(%arg9 : memref<128x128xf32, #tpu.memory_space<vmem>>) dst(%dma_wait3A_173 : memref<10112x128xf32, #tpu.memory_space<vmem_shared>>)
      tpu.yield
    }) : () -> ()
    %barrier3A_140 = arith.constant 0 : index
    tpu.barrier barrier_id(%barrier3A_140)
    %mul3A_141 = arith.constant 632 : i32
    %mul3A_142 = arith.muli %arg1, %mul3A_141 : i32
    %add3A_143 = arith.constant 0 : i32
    %add3A_144 = arith.addi %mul3A_142, %add3A_143 : i32
    "tpu.region"() ({
      %run_scoped3A_161 = tpu.sem_alloc : memref<!tpu.dma_semaphore, #tpu.memory_space<semaphore_mem>>
      %dma_start3A_162 = arith.constant 0 : i32
      %dma_start3A_163 = tpu.memref_slice %arg10[%add3A_144, %dma_start3A_162] : memref<10112x128xf32, #tpu.memory_space<vmem_shared>> -> memref<128x128xf32, #tpu.memory_space<vmem_shared>>
      %dma_start3A_164 = arith.constant 0 : i32
      %dma_start3A_165 = tpu.memref_slice %arg10[%add3A_144, %dma_start3A_164] : memref<10112x128xf32, #tpu.memory_space<vmem_shared>> -> memref<128x128xf32, #tpu.memory_space<vmem_shared>>
      tpu.enqueue_dma source(%dma_start3A_165 : memref<128x128xf32, #tpu.memory_space<vmem_shared>>) target(%arg8 : memref<128x128xf32, #tpu.memory_space<vmem>>) target_semaphore(%run_scoped3A_161 : memref<!tpu.dma_semaphore, #tpu.memory_space<semaphore_mem>>)
      %dma_wait3A_166 = arith.constant 0 : i32
      %dma_wait3A_167 = tpu.memref_slice %arg10[%add3A_144, %dma_wait3A_166] : memref<10112x128xf32, #tpu.memory_space<vmem_shared>> -> memref<128x128xf32, #tpu.memory_space<vmem_shared>>
      %dma_wait3A_168 = arith.constant 0 : i32
      %dma_wait3A_169 = tpu.memref_slice %arg10[%add3A_144, %dma_wait3A_168] : memref<10112x128xf32, #tpu.memory_space<vmem_shared>> -> memref<128x128xf32, #tpu.memory_space<vmem_shared>>
      tpu.wait_dma2 semaphore(%run_scoped3A_161 : memref<!tpu.dma_semaphore, #tpu.memory_space<semaphore_mem>>) src(%dma_wait3A_169 : memref<128x128xf32, #tpu.memory_space<vmem_shared>>) dst(%arg8 : memref<128x128xf32, #tpu.memory_space<vmem>>)
      tpu.yield
    }) : () -> ()
    "tpu.region"() ({
      %run_scoped3A_161 = tpu.sem_alloc : memref<!tpu.dma_semaphore, #tpu.memory_space<semaphore_mem>>
      %dma_start3A_162 = arith.constant 0 : i32
      %dma_start3A_163 = tpu.memref_slice %arg5[%arg0, %add3A_144, %dma_start3A_162] : memref<2x10112x128xf32, #tpu.memory_space<hbm>> -> memref<1x128x128xf32, #tpu.memory_space<hbm>>
      %dma_start3A_164 = tpu.memref_squeeze %dma_start3A_163 : memref<1x128x128xf32, #tpu.memory_space<hbm>> -> memref<128x128xf32, #tpu.memory_space<hbm>>
      %dma_start3A_165 = arith.constant 0 : i32
      %dma_start3A_166 = tpu.memref_slice %arg5[%arg0, %add3A_144, %dma_start3A_165] : memref<2x10112x128xf32, #tpu.memory_space<hbm>> -> memref<1x128x128xf32, #tpu.memory_space<hbm>>
      %dma_start3A_167 = tpu.memref_squeeze %dma_start3A_166 : memref<1x128x128xf32, #tpu.memory_space<hbm>> -> memref<128x128xf32, #tpu.memory_space<hbm>>
      tpu.enqueue_dma source(%arg8 : memref<128x128xf32, #tpu.memory_space<vmem>>) target(%dma_start3A_167 : memref<128x128xf32, #tpu.memory_space<hbm>>) target_semaphore(%run_scoped3A_161 : memref<!tpu.dma_semaphore, #tpu.memory_space<semaphore_mem>>)
      %dma_wait3A_168 = arith.constant 0 : i32
      %dma_wait3A_169 = tpu.memref_slice %arg5[%arg0, %add3A_144, %dma_wait3A_168] : memref<2x10112x128xf32, #tpu.memory_space<hbm>> -> memref<1x128x128xf32, #tpu.memory_space<hbm>>
      %dma_wait3A_170 = tpu.memref_squeeze %dma_wait3A_169 : memref<1x128x128xf32, #tpu.memory_space<hbm>> -> memref<128x128xf32, #tpu.memory_space<hbm>>
      %dma_wait3A_171 = arith.constant 0 : i32
      %dma_wait3A_172 = tpu.memref_slice %arg5[%arg0, %add3A_144, %dma_wait3A_171] : memref<2x10112x128xf32, #tpu.memory_space<hbm>> -> memref<1x128x128xf32, #tpu.memory_space<hbm>>
      %dma_wait3A_173 = tpu.memref_squeeze %dma_wait3A_172 : memref<1x128x128xf32, #tpu.memory_space<hbm>> -> memref<128x128xf32, #tpu.memory_space<hbm>>
      tpu.wait_dma2 semaphore(%run_scoped3A_161 : memref<!tpu.dma_semaphore, #tpu.memory_space<semaphore_mem>>) src(%arg8 : memref<128x128xf32, #tpu.memory_space<vmem>>) dst(%dma_wait3A_173 : memref<128x128xf32, #tpu.memory_space<hbm>>)
      tpu.yield
    }) : () -> ()
    %mul3A_145 = arith.constant 632 : i32
    %mul3A_146 = arith.muli %arg1, %mul3A_145 : i32
    %add3A_147 = arith.constant 128 : i32
    %add3A_148 = arith.addi %mul3A_146, %add3A_147 : i32
    "tpu.region"() ({
      %run_scoped3A_161 = tpu.sem_alloc : memref<!tpu.dma_semaphore, #tpu.memory_space<semaphore_mem>>
      %dma_start3A_162 = arith.constant 0 : i32
      %dma_start3A_163 = tpu.memref_slice %arg10[%add3A_148, %dma_start3A_162] : memref<10112x128xf32, #tpu.memory_space<vmem_shared>> -> memref<128x128xf32, #tpu.memory_space<vmem_shared>>
      %dma_start3A_164 = arith.constant 0 : i32
      %dma_start3A_165 = tpu.memref_slice %arg10[%add3A_148, %dma_start3A_164] : memref<10112x128xf32, #tpu.memory_space<vmem_shared>> -> memref<128x128xf32, #tpu.memory_space<vmem_shared>>
      tpu.enqueue_dma source(%dma_start3A_165 : memref<128x128xf32, #tpu.memory_space<vmem_shared>>) target(%arg8 : memref<128x128xf32, #tpu.memory_space<vmem>>) target_semaphore(%run_scoped3A_161 : memref<!tpu.dma_semaphore, #tpu.memory_space<semaphore_mem>>)
      %dma_wait3A_166 = arith.constant 0 : i32
      %dma_wait3A_167 = tpu.memref_slice %arg10[%add3A_148, %dma_wait3A_166] : memref<10112x128xf32, #tpu.memory_space<vmem_shared>> -> memref<128x128xf32, #tpu.memory_space<vmem_shared>>
      %dma_wait3A_168 = arith.constant 0 : i32
      %dma_wait3A_169 = tpu.memref_slice %arg10[%add3A_148, %dma_wait3A_168] : memref<10112x128xf32, #tpu.memory_space<vmem_shared>> -> memref<128x128xf32, #tpu.memory_space<vmem_shared>>
      tpu.wait_dma2 semaphore(%run_scoped3A_161 : memref<!tpu.dma_semaphore, #tpu.memory_space<semaphore_mem>>) src(%dma_wait3A_169 : memref<128x128xf32, #tpu.memory_space<vmem_shared>>) dst(%arg8 : memref<128x128xf32, #tpu.memory_space<vmem>>)
      tpu.yield
    }) : () -> ()
    "tpu.region"() ({
      %run_scoped3A_161 = tpu.sem_alloc : memref<!tpu.dma_semaphore, #tpu.memory_space<semaphore_mem>>
      %dma_start3A_162 = arith.constant 0 : i32
      %dma_start3A_163 = tpu.memref_slice %arg5[%arg0, %add3A_148, %dma_start3A_162] : memref<2x10112x128xf32, #tpu.memory_space<hbm>> -> memref<1x128x128xf32, #tpu.memory_space<hbm>>
      %dma_start3A_164 = tpu.memref_squeeze %dma_start3A_163 : memref<1x128x128xf32, #tpu.memory_space<hbm>> -> memref<128x128xf32, #tpu.memory_space<hbm>>
      %dma_start3A_165 = arith.constant 0 : i32
      %dma_start3A_166 = tpu.memref_slice %arg5[%arg0, %add3A_148, %dma_start3A_165] : memref<2x10112x128xf32, #tpu.memory_space<hbm>> -> memref<1x128x128xf32, #tpu.memory_space<hbm>>
      %dma_start3A_167 = tpu.memref_squeeze %dma_start3A_166 : memref<1x128x128xf32, #tpu.memory_space<hbm>> -> memref<128x128xf32, #tpu.memory_space<hbm>>
      tpu.enqueue_dma source(%arg8 : memref<128x128xf32, #tpu.memory_space<vmem>>) target(%dma_start3A_167 : memref<128x128xf32, #tpu.memory_space<hbm>>) target_semaphore(%run_scoped3A_161 : memref<!tpu.dma_semaphore, #tpu.memory_space<semaphore_mem>>)
      %dma_wait3A_168 = arith.constant 0 : i32
      %dma_wait3A_169 = tpu.memref_slice %arg5[%arg0, %add3A_148, %dma_wait3A_168] : memref<2x10112x128xf32, #tpu.memory_space<hbm>> -> memref<1x128x128xf32, #tpu.memory_space<hbm>>
      %dma_wait3A_170 = tpu.memref_squeeze %dma_wait3A_169 : memref<1x128x128xf32, #tpu.memory_space<hbm>> -> memref<128x128xf32, #tpu.memory_space<hbm>>
      %dma_wait3A_171 = arith.constant 0 : i32
      %dma_wait3A_172 = tpu.memref_slice %arg5[%arg0, %add3A_148, %dma_wait3A_171] : memref<2x10112x128xf32, #tpu.memory_space<hbm>> -> memref<1x128x128xf32, #tpu.memory_space<hbm>>
      %dma_wait3A_173 = tpu.memref_squeeze %dma_wait3A_172 : memref<1x128x128xf32, #tpu.memory_space<hbm>> -> memref<128x128xf32, #tpu.memory_space<hbm>>
      tpu.wait_dma2 semaphore(%run_scoped3A_161 : memref<!tpu.dma_semaphore, #tpu.memory_space<semaphore_mem>>) src(%arg8 : memref<128x128xf32, #tpu.memory_space<vmem>>) dst(%dma_wait3A_173 : memref<128x128xf32, #tpu.memory_space<hbm>>)
      tpu.yield
    }) : () -> ()
    %mul3A_149 = arith.constant 632 : i32
    %mul3A_150 = arith.muli %arg1, %mul3A_149 : i32
    %add3A_151 = arith.constant 256 : i32
    %add3A_152 = arith.addi %mul3A_150, %add3A_151 : i32
    "tpu.region"() ({
      %run_scoped3A_161 = tpu.sem_alloc : memref<!tpu.dma_semaphore, #tpu.memory_space<semaphore_mem>>
      %dma_start3A_162 = arith.constant 0 : i32
      %dma_start3A_163 = tpu.memref_slice %arg10[%add3A_152, %dma_start3A_162] : memref<10112x128xf32, #tpu.memory_space<vmem_shared>> -> memref<128x128xf32, #tpu.memory_space<vmem_shared>>
      %dma_start3A_164 = arith.constant 0 : i32
      %dma_start3A_165 = tpu.memref_slice %arg10[%add3A_152, %dma_start3A_164] : memref<10112x128xf32, #tpu.memory_space<vmem_shared>> -> memref<128x128xf32, #tpu.memory_space<vmem_shared>>
      tpu.enqueue_dma source(%dma_start3A_165 : memref<128x128xf32, #tpu.memory_space<vmem_shared>>) target(%arg8 : memref<128x128xf32, #tpu.memory_space<vmem>>) target_semaphore(%run_scoped3A_161 : memref<!tpu.dma_semaphore, #tpu.memory_space<semaphore_mem>>)
      %dma_wait3A_166 = arith.constant 0 : i32
      %dma_wait3A_167 = tpu.memref_slice %arg10[%add3A_152, %dma_wait3A_166] : memref<10112x128xf32, #tpu.memory_space<vmem_shared>> -> memref<128x128xf32, #tpu.memory_space<vmem_shared>>
      %dma_wait3A_168 = arith.constant 0 : i32
      %dma_wait3A_169 = tpu.memref_slice %arg10[%add3A_152, %dma_wait3A_168] : memref<10112x128xf32, #tpu.memory_space<vmem_shared>> -> memref<128x128xf32, #tpu.memory_space<vmem_shared>>
      tpu.wait_dma2 semaphore(%run_scoped3A_161 : memref<!tpu.dma_semaphore, #tpu.memory_space<semaphore_mem>>) src(%dma_wait3A_169 : memref<128x128xf32, #tpu.memory_space<vmem_shared>>) dst(%arg8 : memref<128x128xf32, #tpu.memory_space<vmem>>)
      tpu.yield
    }) : () -> ()
    "tpu.region"() ({
      %run_scoped3A_161 = tpu.sem_alloc : memref<!tpu.dma_semaphore, #tpu.memory_space<semaphore_mem>>
      %dma_start3A_162 = arith.constant 0 : i32
      %dma_start3A_163 = tpu.memref_slice %arg5[%arg0, %add3A_152, %dma_start3A_162] : memref<2x10112x128xf32, #tpu.memory_space<hbm>> -> memref<1x128x128xf32, #tpu.memory_space<hbm>>
      %dma_start3A_164 = tpu.memref_squeeze %dma_start3A_163 : memref<1x128x128xf32, #tpu.memory_space<hbm>> -> memref<128x128xf32, #tpu.memory_space<hbm>>
      %dma_start3A_165 = arith.constant 0 : i32
      %dma_start3A_166 = tpu.memref_slice %arg5[%arg0, %add3A_152, %dma_start3A_165] : memref<2x10112x128xf32, #tpu.memory_space<hbm>> -> memref<1x128x128xf32, #tpu.memory_space<hbm>>
      %dma_start3A_167 = tpu.memref_squeeze %dma_start3A_166 : memref<1x128x128xf32, #tpu.memory_space<hbm>> -> memref<128x128xf32, #tpu.memory_space<hbm>>
      tpu.enqueue_dma source(%arg8 : memref<128x128xf32, #tpu.memory_space<vmem>>) target(%dma_start3A_167 : memref<128x128xf32, #tpu.memory_space<hbm>>) target_semaphore(%run_scoped3A_161 : memref<!tpu.dma_semaphore, #tpu.memory_space<semaphore_mem>>)
      %dma_wait3A_168 = arith.constant 0 : i32
      %dma_wait3A_169 = tpu.memref_slice %arg5[%arg0, %add3A_152, %dma_wait3A_168] : memref<2x10112x128xf32, #tpu.memory_space<hbm>> -> memref<1x128x128xf32, #tpu.memory_space<hbm>>
      %dma_wait3A_170 = tpu.memref_squeeze %dma_wait3A_169 : memref<1x128x128xf32, #tpu.memory_space<hbm>> -> memref<128x128xf32, #tpu.memory_space<hbm>>
      %dma_wait3A_171 = arith.constant 0 : i32
      %dma_wait3A_172 = tpu.memref_slice %arg5[%arg0, %add3A_152, %dma_wait3A_171] : memref<2x10112x128xf32, #tpu.memory_space<hbm>> -> memref<1x128x128xf32, #tpu.memory_space<hbm>>
      %dma_wait3A_173 = tpu.memref_squeeze %dma_wait3A_172 : memref<1x128x128xf32, #tpu.memory_space<hbm>> -> memref<128x128xf32, #tpu.memory_space<hbm>>
      tpu.wait_dma2 semaphore(%run_scoped3A_161 : memref<!tpu.dma_semaphore, #tpu.memory_space<semaphore_mem>>) src(%arg8 : memref<128x128xf32, #tpu.memory_space<vmem>>) dst(%dma_wait3A_173 : memref<128x128xf32, #tpu.memory_space<hbm>>)
      tpu.yield
    }) : () -> ()
    %mul3A_153 = arith.constant 632 : i32
    %mul3A_154 = arith.muli %arg1, %mul3A_153 : i32
    %add3A_155 = arith.constant 384 : i32
    %add3A_156 = arith.addi %mul3A_154, %add3A_155 : i32
    "tpu.region"() ({
      %run_scoped3A_161 = tpu.sem_alloc : memref<!tpu.dma_semaphore, #tpu.memory_space<semaphore_mem>>
      %dma_start3A_162 = arith.constant 0 : i32
      %dma_start3A_163 = tpu.memref_slice %arg10[%add3A_156, %dma_start3A_162] : memref<10112x128xf32, #tpu.memory_space<vmem_shared>> -> memref<128x128xf32, #tpu.memory_space<vmem_shared>>
      %dma_start3A_164 = arith.constant 0 : i32
      %dma_start3A_165 = tpu.memref_slice %arg10[%add3A_156, %dma_start3A_164] : memref<10112x128xf32, #tpu.memory_space<vmem_shared>> -> memref<128x128xf32, #tpu.memory_space<vmem_shared>>
      tpu.enqueue_dma source(%dma_start3A_165 : memref<128x128xf32, #tpu.memory_space<vmem_shared>>) target(%arg8 : memref<128x128xf32, #tpu.memory_space<vmem>>) target_semaphore(%run_scoped3A_161 : memref<!tpu.dma_semaphore, #tpu.memory_space<semaphore_mem>>)
      %dma_wait3A_166 = arith.constant 0 : i32
      %dma_wait3A_167 = tpu.memref_slice %arg10[%add3A_156, %dma_wait3A_166] : memref<10112x128xf32, #tpu.memory_space<vmem_shared>> -> memref<128x128xf32, #tpu.memory_space<vmem_shared>>
      %dma_wait3A_168 = arith.constant 0 : i32
      %dma_wait3A_169 = tpu.memref_slice %arg10[%add3A_156, %dma_wait3A_168] : memref<10112x128xf32, #tpu.memory_space<vmem_shared>> -> memref<128x128xf32, #tpu.memory_space<vmem_shared>>
      tpu.wait_dma2 semaphore(%run_scoped3A_161 : memref<!tpu.dma_semaphore, #tpu.memory_space<semaphore_mem>>) src(%dma_wait3A_169 : memref<128x128xf32, #tpu.memory_space<vmem_shared>>) dst(%arg8 : memref<128x128xf32, #tpu.memory_space<vmem>>)
      tpu.yield
    }) : () -> ()
    "tpu.region"() ({
      %run_scoped3A_161 = tpu.sem_alloc : memref<!tpu.dma_semaphore, #tpu.memory_space<semaphore_mem>>
      %dma_start3A_162 = arith.constant 0 : i32
      %dma_start3A_163 = tpu.memref_slice %arg5[%arg0, %add3A_156, %dma_start3A_162] : memref<2x10112x128xf32, #tpu.memory_space<hbm>> -> memref<1x128x128xf32, #tpu.memory_space<hbm>>
      %dma_start3A_164 = tpu.memref_squeeze %dma_start3A_163 : memref<1x128x128xf32, #tpu.memory_space<hbm>> -> memref<128x128xf32, #tpu.memory_space<hbm>>
      %dma_start3A_165 = arith.constant 0 : i32
      %dma_start3A_166 = tpu.memref_slice %arg5[%arg0, %add3A_156, %dma_start3A_165] : memref<2x10112x128xf32, #tpu.memory_space<hbm>> -> memref<1x128x128xf32, #tpu.memory_space<hbm>>
      %dma_start3A_167 = tpu.memref_squeeze %dma_start3A_166 : memref<1x128x128xf32, #tpu.memory_space<hbm>> -> memref<128x128xf32, #tpu.memory_space<hbm>>
      tpu.enqueue_dma source(%arg8 : memref<128x128xf32, #tpu.memory_space<vmem>>) target(%dma_start3A_167 : memref<128x128xf32, #tpu.memory_space<hbm>>) target_semaphore(%run_scoped3A_161 : memref<!tpu.dma_semaphore, #tpu.memory_space<semaphore_mem>>)
      %dma_wait3A_168 = arith.constant 0 : i32
      %dma_wait3A_169 = tpu.memref_slice %arg5[%arg0, %add3A_156, %dma_wait3A_168] : memref<2x10112x128xf32, #tpu.memory_space<hbm>> -> memref<1x128x128xf32, #tpu.memory_space<hbm>>
      %dma_wait3A_170 = tpu.memref_squeeze %dma_wait3A_169 : memref<1x128x128xf32, #tpu.memory_space<hbm>> -> memref<128x128xf32, #tpu.memory_space<hbm>>
      %dma_wait3A_171 = arith.constant 0 : i32
      %dma_wait3A_172 = tpu.memref_slice %arg5[%arg0, %add3A_156, %dma_wait3A_171] : memref<2x10112x128xf32, #tpu.memory_space<hbm>> -> memref<1x128x128xf32, #tpu.memory_space<hbm>>
      %dma_wait3A_173 = tpu.memref_squeeze %dma_wait3A_172 : memref<1x128x128xf32, #tpu.memory_space<hbm>> -> memref<128x128xf32, #tpu.memory_space<hbm>>
      tpu.wait_dma2 semaphore(%run_scoped3A_161 : memref<!tpu.dma_semaphore, #tpu.memory_space<semaphore_mem>>) src(%arg8 : memref<128x128xf32, #tpu.memory_space<vmem>>) dst(%dma_wait3A_173 : memref<128x128xf32, #tpu.memory_space<hbm>>)
      tpu.yield
    }) : () -> ()
    %mul3A_157 = arith.constant 632 : i32
    %mul3A_158 = arith.muli %arg1, %mul3A_157 : i32
    %add3A_159 = arith.constant 512 : i32
    %add3A_160 = arith.addi %mul3A_158, %add3A_159 : i32
    "tpu.region"() ({
      %run_scoped3A_161 = tpu.sem_alloc : memref<!tpu.dma_semaphore, #tpu.memory_space<semaphore_mem>>
      %dma_start3A_162 = arith.constant 0 : i32
      %dma_start3A_163 = arith.constant 0 : i32
      %dma_start3A_164 = tpu.memref_slice %arg8[%dma_start3A_162, %dma_start3A_163] : memref<128x128xf32, #tpu.memory_space<vmem>> -> memref<120x128xf32, #tpu.memory_space<vmem>>
      %dma_start3A_165 = arith.constant 0 : i32
      %dma_start3A_166 = tpu.memref_slice %arg10[%add3A_160, %dma_start3A_165] : memref<10112x128xf32, #tpu.memory_space<vmem_shared>> -> memref<120x128xf32, #tpu.memory_space<vmem_shared>>
      %dma_start3A_167 = arith.constant 0 : i32
      %dma_start3A_168 = arith.constant 0 : i32
      %dma_start3A_169 = tpu.memref_slice %arg8[%dma_start3A_167, %dma_start3A_168] : memref<128x128xf32, #tpu.memory_space<vmem>> -> memref<120x128xf32, #tpu.memory_space<vmem>>
      %dma_start3A_170 = arith.constant 0 : i32
      %dma_start3A_171 = tpu.memref_slice %arg10[%add3A_160, %dma_start3A_170] : memref<10112x128xf32, #tpu.memory_space<vmem_shared>> -> memref<120x128xf32, #tpu.memory_space<vmem_shared>>
      tpu.enqueue_dma source(%dma_start3A_171 : memref<120x128xf32, #tpu.memory_space<vmem_shared>>) target(%dma_start3A_169 : memref<120x128xf32, #tpu.memory_space<vmem>>) target_semaphore(%run_scoped3A_161 : memref<!tpu.dma_semaphore, #tpu.memory_space<semaphore_mem>>)
      %dma_wait3A_172 = arith.constant 0 : i32
      %dma_wait3A_173 = arith.constant 0 : i32
      %dma_wait3A_174 = tpu.memref_slice %arg8[%dma_wait3A_172, %dma_wait3A_173] : memref<128x128xf32, #tpu.memory_space<vmem>> -> memref<120x128xf32, #tpu.memory_space<vmem>>
      %dma_wait3A_175 = arith.constant 0 : i32
      %dma_wait3A_176 = tpu.memref_slice %arg10[%add3A_160, %dma_wait3A_175] : memref<10112x128xf32, #tpu.memory_space<vmem_shared>> -> memref<120x128xf32, #tpu.memory_space<vmem_shared>>
      %dma_wait3A_177 = arith.constant 0 : i32
      %dma_wait3A_178 = arith.constant 0 : i32
      %dma_wait3A_179 = tpu.memref_slice %arg8[%dma_wait3A_177, %dma_wait3A_178] : memref<128x128xf32, #tpu.memory_space<vmem>> -> memref<120x128xf32, #tpu.memory_space<vmem>>
      %dma_wait3A_180 = arith.constant 0 : i32
      %dma_wait3A_181 = tpu.memref_slice %arg10[%add3A_160, %dma_wait3A_180] : memref<10112x128xf32, #tpu.memory_space<vmem_shared>> -> memref<120x128xf32, #tpu.memory_space<vmem_shared>>
      tpu.wait_dma2 semaphore(%run_scoped3A_161 : memref<!tpu.dma_semaphore, #tpu.memory_space<semaphore_mem>>) src(%dma_wait3A_181 : memref<120x128xf32, #tpu.memory_space<vmem_shared>>) dst(%dma_wait3A_179 : memref<120x128xf32, #tpu.memory_space<vmem>>)
      tpu.yield
    }) : () -> ()
    "tpu.region"() ({
      %run_scoped3A_161 = tpu.sem_alloc : memref<!tpu.dma_semaphore, #tpu.memory_space<semaphore_mem>>
      %dma_start3A_162 = arith.constant 0 : i32
      %dma_start3A_163 = arith.constant 0 : i32
      %dma_start3A_164 = tpu.memref_slice %arg8[%dma_start3A_162, %dma_start3A_163] : memref<128x128xf32, #tpu.memory_space<vmem>> -> memref<120x128xf32, #tpu.memory_space<vmem>>
      %dma_start3A_165 = arith.constant 0 : i32
      %dma_start3A_166 = tpu.memref_slice %arg5[%arg0, %add3A_160, %dma_start3A_165] : memref<2x10112x128xf32, #tpu.memory_space<hbm>> -> memref<1x120x128xf32, #tpu.memory_space<hbm>>
      %dma_start3A_167 = tpu.memref_squeeze %dma_start3A_166 : memref<1x120x128xf32, #tpu.memory_space<hbm>> -> memref<120x128xf32, #tpu.memory_space<hbm>>
      %dma_start3A_168 = arith.constant 0 : i32
      %dma_start3A_169 = tpu.memref_slice %arg5[%arg0, %add3A_160, %dma_start3A_168] : memref<2x10112x128xf32, #tpu.memory_space<hbm>> -> memref<1x120x128xf32, #tpu.memory_space<hbm>>
      %dma_start3A_170 = tpu.memref_squeeze %dma_start3A_169 : memref<1x120x128xf32, #tpu.memory_space<hbm>> -> memref<120x128xf32, #tpu.memory_space<hbm>>
      %dma_start3A_171 = arith.constant 0 : i32
      %dma_start3A_172 = arith.constant 0 : i32
      %dma_start3A_173 = tpu.memref_slice %arg8[%dma_start3A_171, %dma_start3A_172] : memref<128x128xf32, #tpu.memory_space<vmem>> -> memref<120x128xf32, #tpu.memory_space<vmem>>
      tpu.enqueue_dma source(%dma_start3A_173 : memref<120x128xf32, #tpu.memory_space<vmem>>) target(%dma_start3A_170 : memref<120x128xf32, #tpu.memory_space<hbm>>) target_semaphore(%run_scoped3A_161 : memref<!tpu.dma_semaphore, #tpu.memory_space<semaphore_mem>>)
      %dma_wait3A_174 = arith.constant 0 : i32
      %dma_wait3A_175 = arith.constant 0 : i32
      %dma_wait3A_176 = tpu.memref_slice %arg8[%dma_wait3A_174, %dma_wait3A_175] : memref<128x128xf32, #tpu.memory_space<vmem>> -> memref<120x128xf32, #tpu.memory_space<vmem>>
      %dma_wait3A_177 = arith.constant 0 : i32
      %dma_wait3A_178 = tpu.memref_slice %arg5[%arg0, %add3A_160, %dma_wait3A_177] : memref<2x10112x128xf32, #tpu.memory_space<hbm>> -> memref<1x120x128xf32, #tpu.memory_space<hbm>>
      %dma_wait3A_179 = tpu.memref_squeeze %dma_wait3A_178 : memref<1x120x128xf32, #tpu.memory_space<hbm>> -> memref<120x128xf32, #tpu.memory_space<hbm>>
      %dma_wait3A_180 = arith.constant 0 : i32
      %dma_wait3A_181 = tpu.memref_slice %arg5[%arg0, %add3A_160, %dma_wait3A_180] : memref<2x10112x128xf32, #tpu.memory_space<hbm>> -> memref<1x120x128xf32, #tpu.memory_space<hbm>>
      %dma_wait3A_182 = tpu.memref_squeeze %dma_wait3A_181 : memref<1x120x128xf32, #tpu.memory_space<hbm>> -> memref<120x128xf32, #tpu.memory_space<hbm>>
      %dma_wait3A_183 = arith.constant 0 : i32
      %dma_wait3A_184 = arith.constant 0 : i32
      %dma_wait3A_185 = tpu.memref_slice %arg8[%dma_wait3A_183, %dma_wait3A_184] : memref<128x128xf32, #tpu.memory_space<vmem>> -> memref<120x128xf32, #tpu.memory_space<vmem>>
      tpu.wait_dma2 semaphore(%run_scoped3A_161 : memref<!tpu.dma_semaphore, #tpu.memory_space<semaphore_mem>>) src(%dma_wait3A_185 : memref<120x128xf32, #tpu.memory_space<vmem>>) dst(%dma_wait3A_182 : memref<120x128xf32, #tpu.memory_space<hbm>>)
      tpu.yield
    }) : () -> ()
    return
  }
}

module attributes {stable_mosaic.version = 14 : i64} {
  func.func @_y_body(%arg0: i32, %arg1: memref<400x32xf32, #tpu.memory_space<vmem>>, %arg2: memref<400x128xf32, #tpu.memory_space<vmem>>, %arg3: memref<400x128xf32, #tpu.memory_space<vmem>>) attributes {dimension_semantics = [#tpu.dimension_semantics<arbitrary>], iteration_bounds = array<i64: 25>, scalar_prefetch = 0 : i64, scratch_operands = 0 : i64, tpu.core_type = #tpu.core_type<tc>, window_params = [{transform_indices = @transform_0, window_bounds = array<i64: 400, 32>}, {transform_indices = @transform_1, window_bounds = array<i64: 400, 128>}, {transform_indices = @transform_2, window_bounds = array<i64: 400, 128>}]} {
    %get3A = arith.constant 0 : index
    %get3A_0 = arith.constant 0 : index
    %get3A_1 = vector.load %arg2[%get3A, %get3A_0] : memref<400x128xf32, #tpu.memory_space<vmem>>, vector<400x128xf32>
    %max3A = arith.constant 0.000000e+00 : f32
    %max3A_2 = vector.broadcast %max3A : f32 to vector<400x128xf32>
    %max3A_3 = arith.maximumf %get3A_1, %max3A_2 : vector<400x128xf32>
    %get3A_4 = arith.constant 0 : index
    %get3A_5 = arith.constant 0 : index
    %get3A_6 = vector.load %arg1[%get3A_4, %get3A_5] : memref<400x32xf32, #tpu.memory_space<vmem>>, vector<400x32xf32>
    %reduce_sum3A = arith.constant dense<0.000000e+00> : vector<400xf32>
    %reduce_sum3A_7 = vector.multi_reduction <add>, %get3A_6, %reduce_sum3A [1] : vector<400x32xf32> to vector<400xf32>
    %broadcast_in_dim3A = vector.shape_cast %reduce_sum3A_7 : vector<400xf32> to vector<400x1xf32>
    %gt3A = arith.constant 0.000000e+00 : f32
    %gt3A_8 = vector.broadcast %gt3A : f32 to vector<400x1xf32>
    %gt3A_9 = arith.cmpf ogt, %broadcast_in_dim3A, %gt3A_8 : vector<400x1xf32>
    %rsqrt3A = math.rsqrt %broadcast_in_dim3A : vector<400x1xf32>
    %jit3A = arith.constant 0.000000e+00 : f32
    %broadcast_in_dim3A_10 = vector.broadcast %jit3A : f32 to vector<400x1xf32>
    %select_n3A = arith.select %gt3A_9, %rsqrt3A, %broadcast_in_dim3A_10 : vector<400x1xi1>, vector<400x1xf32>
    %mul3A = vector.broadcast %select_n3A : vector<400x1xf32> to vector<400x128xf32>
    %mul3A_11 = arith.mulf %max3A_3, %mul3A : vector<400x128xf32>
    %swap3A = arith.constant 0 : index
    %swap3A_12 = arith.constant 0 : index
    %swap3A_13 = vector.load %arg3[%swap3A, %swap3A_12] : memref<400x128xf32, #tpu.memory_space<vmem>>, vector<400x128xf32>
    tpu.vector_store %arg3[%swap3A, %swap3A_12], %mul3A_11 {strides = array<i32>} : memref<400x128xf32, #tpu.memory_space<vmem>>, vector<400x128xf32>,
    return
  }
  func.func @transform_0(%arg0: i32) -> (i32, i32) {
    %c0_i32 = arith.constant 0 : i32
    %c0_i32_0 = arith.constant 0 : i32
    return %arg0, %c0_i32 : i32, i32
  }
  func.func @transform_1(%arg0: i32) -> (i32, i32) {
    %c0_i32 = arith.constant 0 : i32
    %c0_i32_0 = arith.constant 0 : i32
    return %arg0, %c0_i32 : i32, i32
  }
  func.func @transform_2(%arg0: i32) -> (i32, i32) {
    %c0_i32 = arith.constant 0 : i32
    %c0_i32_0 = arith.constant 0 : i32
    return %arg0, %c0_i32 : i32, i32
  }
}

module attributes {stable_mosaic.version = 14 : i64} {
  func.func @_out_body(%arg0: i32, %arg1: memref<1xf32, #tpu.memory_space<smem>>, %arg2: memref<400x32xf32, #tpu.memory_space<vmem>>, %arg3: memref<400x128xf32, #tpu.memory_space<vmem>>, %arg4: memref<2x400x128xf32, #tpu.memory_space<vmem>>, %arg5: memref<400x128xf32, #tpu.memory_space<vmem>>) attributes {dimension_semantics = [#tpu.dimension_semantics<arbitrary>], iteration_bounds = array<i64: 25>, scalar_prefetch = 0 : i64, scratch_operands = 0 : i64, tpu.core_type = #tpu.core_type<tc>, window_params = [{transform_indices = @transform_0, window_bounds = array<i64: 1>}, {transform_indices = @transform_1, window_bounds = array<i64: 400, 32>}, {transform_indices = @transform_2, window_bounds = array<i64: 400, 128>}, {transform_indices = @transform_3, window_bounds = array<i64: 2, 400, 128>}, {transform_indices = @transform_4, window_bounds = array<i64: 400, 128>}]} {
    %get3A = arith.constant 0 : index
    %get3A_0 = arith.constant 0 : index
    %get3A_1 = vector.load %arg2[%get3A, %get3A_0] : memref<400x32xf32, #tpu.memory_space<vmem>>, vector<400x32xf32>
    %reduce_sum3A = arith.constant dense<0.000000e+00> : vector<400xf32>
    %reduce_sum3A_2 = vector.multi_reduction <add>, %get3A_1, %reduce_sum3A [1] : vector<400x32xf32> to vector<400xf32>
    %broadcast_in_dim3A = vector.shape_cast %reduce_sum3A_2 : vector<400xf32> to vector<400x1xf32>
    %gt3A = arith.constant 0.000000e+00 : f32
    %gt3A_3 = vector.broadcast %gt3A : f32 to vector<400x1xf32>
    %gt3A_4 = arith.cmpf ogt, %broadcast_in_dim3A, %gt3A_3 : vector<400x1xf32>
    %rsqrt3A = math.rsqrt %broadcast_in_dim3A : vector<400x1xf32>
    %jit3A = arith.constant 0.000000e+00 : f32
    %broadcast_in_dim3A_5 = vector.broadcast %jit3A : f32 to vector<400x1xf32>
    %select_n3A = arith.select %gt3A_4, %rsqrt3A, %broadcast_in_dim3A_5 : vector<400x1xi1>, vector<400x1xf32>
    %get3A_6 = arith.constant 0 : index
    %get3A_7 = arith.constant 0 : index
    %get3A_8 = vector.load %arg3[%get3A_6, %get3A_7] : memref<400x128xf32, #tpu.memory_space<vmem>>, vector<400x128xf32>
    %get3A_9 = arith.constant 0 : index
    %get3A_10 = memref.load %arg1[%get3A_9] : memref<1xf32, #tpu.memory_space<smem>>
    %mul3A = vector.broadcast %get3A_10 : f32 to vector<400x1xf32>
    %mul3A_11 = arith.mulf %mul3A, %select_n3A : vector<400x1xf32>
    %get3A_12 = arith.constant 0 : index
    %get3A_13 = arith.constant 0 : index
    %get3A_14 = arith.constant 0 : index
    %get3A_15 = vector.load %arg4[%get3A_12, %get3A_13, %get3A_14] : memref<2x400x128xf32, #tpu.memory_space<vmem>>, vector<1x400x128xf32>
    %get3A_16 = vector.shape_cast %get3A_15 : vector<1x400x128xf32> to vector<400x128xf32>
    %get3A_17 = arith.constant 1 : index
    %get3A_18 = arith.constant 0 : index
    %get3A_19 = arith.constant 0 : index
    %get3A_20 = vector.load %arg4[%get3A_17, %get3A_18, %get3A_19] : memref<2x400x128xf32, #tpu.memory_space<vmem>>, vector<1x400x128xf32>
    %get3A_21 = vector.shape_cast %get3A_20 : vector<1x400x128xf32> to vector<400x128xf32>
    %add3A = arith.addf %get3A_16, %get3A_21 : vector<400x128xf32>
    %mul3A_22 = vector.broadcast %mul3A_11 : vector<400x1xf32> to vector<400x128xf32>
    %mul3A_23 = arith.mulf %mul3A_22, %add3A : vector<400x128xf32>
    %add3A_24 = arith.addf %get3A_8, %mul3A_23 : vector<400x128xf32>
    %swap3A = arith.constant 0 : index
    %swap3A_25 = arith.constant 0 : index
    %swap3A_26 = vector.load %arg5[%swap3A, %swap3A_25] : memref<400x128xf32, #tpu.memory_space<vmem>>, vector<400x128xf32>
    tpu.vector_store %arg5[%swap3A, %swap3A_25], %add3A_24 {strides = array<i32>} : memref<400x128xf32, #tpu.memory_space<vmem>>, vector<400x128xf32>,
    return
  }
  func.func @transform_0(%arg0: i32) -> i32 {
    %c0_i32 = arith.constant 0 : i32
    %c0_i32_0 = arith.constant 0 : i32
    return %c0_i32 : i32
  }
  func.func @transform_1(%arg0: i32) -> (i32, i32) {
    %c0_i32 = arith.constant 0 : i32
    %c0_i32_0 = arith.constant 0 : i32
    return %arg0, %c0_i32 : i32, i32
  }
  func.func @transform_2(%arg0: i32) -> (i32, i32) {
    %c0_i32 = arith.constant 0 : i32
    %c0_i32_0 = arith.constant 0 : i32
    return %arg0, %c0_i32 : i32, i32
  }
  func.func @transform_3(%arg0: i32) -> (i32, i32, i32) {
    %c0_i32 = arith.constant 0 : i32
    %c0_i32_0 = arith.constant 0 : i32
    %c0_i32_1 = arith.constant 0 : i32
    return %c0_i32, %arg0, %c0_i32_0 : i32, i32, i32
  }
  func.func @transform_4(%arg0: i32) -> (i32, i32) {
    %c0_i32 = arith.constant 0 : i32
    %c0_i32_0 = arith.constant 0 : i32
    return %arg0, %c0_i32 : i32, i32
  }
}

</mosaic_0001>

<sc_bundles>
// kernel: kernel.6.cloned.1.call-start
scs
__scs_entry_jumppad:
0x0: {  	(pc) =	sbr.rel $0x88, $3  }
0x1: {  	(tag) =	ssettag $0x0;
	lr =	simm.s32 $0x1  }
0x2: {  	[smem:$0x3F9E] =	sst lr;
	_ =	strace $0xD0000000  }
0x3: {  	_ = 	snop  }
0x4: {  	_ = 	snop  }
0x5: {  	_ = 	snop  }
0x6: {  	_ = 	snop  }
0x7: {  	_ = 	snop  }
__scs_overlays_trampoline_lowered:
0x8: {  	[smem:$0x3FAD] =	sst s0  }
0x9: {  	[smem:$0x3FAE] =	sst s1  }
0xa: {  	[smem:$0x3FAF] =	sst s2  }
0xb: {  	[smem:$0x3FB0] =	sst s3  }
0xc: {  	[smem:$0x3FB1] =	sst s4  }
0xd: {  	[smem:$0x3FB2] =	sst s5  }
0xe: {  	[smem:$0x3FB3] =	sst s6  }
0xf: {  	[smem:$0x3FB4] =	sst s7  }
0x10: {  	[smem:$0x3FB5] =	sst s8  }
0x11: {  	[smem:$0x3FB6] =	sst s9;
	s0 =	simm.s32 @!p0 $0x0  }
0x12: {  	s1 =	sld [smem:$0x3F9C];
	s0 =	simm.s32 @p0 $0x1  }
0x13: {  	[smem:$0x3FB7] =	sst s0;
	s0 =	simm.s32 @!p1 $0x0  }
0x14: {  	s2 =	sld [smem:$0x3F9B];
	s0 =	simm.s32 @p1 $0x1  }
0x15: {  	[smem:$0x3FB8] =	sst s0;
	s0 =	simm.s32 @!p2 $0x0  }
0x16: {  	s3 =	sld [smem:$0x3FDB];
	s0 =	simm.s32 @p2 $0x1  }
0x17: {  	s4 =	simm.s32 $0x1BF5;
	[smem:$0x3FBA] =	sst s0  }
0x18: {  	s0 =	sld [smem:$0x3F9D];
	_ =	swait.ge [sflag:s4], $0x0  }
0x19: {  	s7 =	sld [smem:$0x3F9E]  }
0x1a: {  	s8 =	sadd.s32 $0xFFFFE003, lr  }
0x1b: {  	s9 =	sadd.s32 $0xFFFFFEF7, lr;
	s5 =	simm.s32 $0xFFFFFFFF;
	p2 =	slt.u32 s8, $0xFFFFF086  }
0x1c: {  	p1 =	slt.u32 s9, $0xF7A;
	s5 =	simm.s32 @!p2 $0x0  }
0x1d: {  	s5 =	simm.s32 @p1 $0x1;
	p0 =	seq.s32 s7, s2  }
0x1e: {  	s7 =	smul.u32 @!p0 $0xF7A, s2;
	p2 =	seq.s32 @!p0 s5, $0x0  }
0x1f: {  	s9 =	smul.u32 $0xF7A, s1;
	s8 =	simm.s32 @!p0 $0x1BF5;
	p2 =	por !p2, p0  }
0x20: {  	[sflag:s8] =	ssyncset.s32 @!p0 $0xFFFFF086;
	s6 =	sadd.s32 @!p0 s3, s7;
	s7 =	simm.s32 @!p0 $0x108  }
0x21: {  	s3 =	sadd.s32 s3, s9;
	s6 =	sadd.s32 @!p0 $0x88, s6;
	s7 =	simm.s32 @p2 $0x1082  }
0x22: {  	[simem:s7], [sflag:s8] =	dma.local @!p0 [hbm:s6], $0xF7A  }
0x23: {  	s9 =	sor.u32 $0xD0000000, s2;
	s6 =	simm.s32 $0x108;
	_ =	swait.ge @!p0 [sflag:s8], $0x0  }
0x24: {  	s3 =	sadd.s32 $0x88, s3;
	s6 =	simm.s32 @!p1 $0x1082;
	[sflag:s4] =	ssyncset.s32 $0xFFFFF086  }
0x25: {  	[simem:s6], [sflag:s4] =	dma.local [hbm:s3], $0xF7A  }
0x26: {  	[smem:$0x3F9E] =	sst s1;
	(tag) =	ssettag s2;
	_ =	strace s9  }
0x27: {  	s1 =	sld [smem:$0x3FAE]  }
0x28: {  	s2 =	sld [smem:$0x3FAF]  }
0x29: {  	s4 =	sld [smem:$0x3FB1]  }
0x2a: {  	p0 =	seq.s32 s5, $0x0;
	s5 =	sld [smem:$0x3FB2]  }
0x2b: {  	s6 =	sld [smem:$0x3FB3]  }
0x2c: {  	s7 =	sld [smem:$0x3FB4]  }
0x2d: {  	s3 =	simm.s32 $0x108;
	s8 =	sld [smem:$0x3FB5]  }
0x2e: {  	s3 =	simm.s32 @!p0 $0x1082;
	s9 =	sld [smem:$0x3FB6]  }
0x2f: {  	lr =	sadd.s32 s0, s3;
	s0 =	sld [smem:$0x3FAD]  }
0x30: {  	s3 =	sld [smem:$0x3FB0]  }
0x31: {  	[smem:$0x3FB9] =	sst s10  }
0x32: {  	s10 =	sld [smem:$0x3FB7];
	_ =	sdelay $0x3  }
0x33: {  	p0 =	seq.s32 s10, $0x1;
	s10 =	sld [smem:$0x3FB9];
	_ =	sdelay $0x3  }
0x34: {  	[smem:$0x3FB9] =	sst s10  }
0x35: {  	s10 =	sld [smem:$0x3FB8];
	_ =	sdelay $0x3  }
0x36: {  	p1 =	seq.s32 s10, $0x1;
	s10 =	sld [smem:$0x3FB9];
	_ =	sdelay $0x3  }
0x37: {  	[smem:$0x3FB9] =	sst s10  }
0x38: {  	s10 =	sld [smem:$0x3FBA]  }
0x39: {  	_ = 	snop;
	(pc) =	sbr.ind lr, $3  }
0x3a: {  	_ = 	snop  }
0x3b: {  	_ = 	snop  }
0x3c: {  	p2 =	seq.s32 s10, $0x1;
	s10 =	sld [smem:$0x3FB9]  }
0x3d: {  	_ =	shalt  }
0x3e: {  	_ =	shalt  }
0x3f: {  	_ =	shalt  }
0x40: {  	_ =	shalt  }
0x41: {  	_ =	shalt  }
0x42: {  	_ =	shalt  }
0x43: {  	_ =	shalt  }
0x44: {  	_ =	shalt  }
0x45: {  	_ =	shalt  }
0x46: {  	_ =	shalt  }
0x47: {  	_ =	shalt  }
0x48: {  	_ =	shalt  }
0x49: {  	_ =	shalt  }
0x4a: {  	_ =	shalt  }
0x4b: {  	_ =	shalt  }
0x4c: {  	_ =	shalt  }
0x4d: {  	_ =	shalt  }
0x4e: {  	_ =	shalt  }
0x4f: {  	_ =	shalt  }
0x50: {  	_ =	shalt  }
0x51: {  	_ =	shalt  }
0x52: {  	_ =	shalt  }
0x53: {  	_ =	shalt  }
0x54: {  	_ =	shalt  }
0x55: {  	_ =	shalt  }
0x56: {  	_ =	shalt  }
0x57: {  	_ =	shalt  }
0x58: {  	_ =	shalt  }
0x59: {  	_ =	shalt  }
0x5a: {  	_ =	shalt  }
0x5b: {  	_ =	shalt  }
0x5c: {  	_ =	shalt  }
0x5d: {  	_ =	shalt  }
0x5e: {  	_ =	shalt  }
0x5f: {  	_ =	shalt  }
0x60: {  	_ =	shalt  }
0x61: {  	_ =	shalt  }
0x62: {  	_ =	shalt  }
0x63: {  	_ =	shalt  }
0x64: {  	_ =	shalt  }
0x65: {  	_ =	shalt  }
0x66: {  	_ =	shalt  }
0x67: {  	_ =	shalt  }
0x68: {  	_ =	shalt  }
0x69: {  	_ =	shalt  }
0x6a: {  	_ =	shalt  }
0x6b: {  	_ =	shalt  }
0x6c: {  	_ =	shalt  }
0x6d: {  	_ =	shalt  }
0x6e: {  	_ =	shalt  }
0x6f: {  	_ =	shalt  }
0x70: {  	_ =	shalt  }
0x71: {  	_ =	shalt  }
0x72: {  	_ =	shalt  }
0x73: {  	_ =	shalt  }
0x74: {  	_ =	shalt  }
0x75: {  	_ =	shalt  }
0x76: {  	_ =	shalt  }
0x77: {  	_ =	shalt  }
0x78: {  	_ =	shalt  }
0x79: {  	_ =	shalt  }
0x7a: {  	_ =	shalt  }
0x7b: {  	_ =	shalt  }
0x7c: {  	_ =	shalt  }
0x7d: {  	_ =	shalt  }
0x7e: {  	_ =	shalt  }
0x7f: {  	_ =	shalt  }
0x80: {  	_ =	shalt  }
0x81: {  	_ =	shalt  }
0x82: {  	_ =	shalt  }
0x83: {  	_ =	shalt  }
0x84: {  	_ =	shalt  }
0x85: {  	_ =	shalt  }
0x86: {  	_ =	shalt  }
0x87: {  	_ =	shalt  }
.Lfunc_end0:
.L_simem_size_0:
called_computation_lowered:
.L_overlay_start_0:
0x88: {  	s2 =	sld [smem:$0x3FD9]  }
0x89: {  	s3 =	sld [smem:$0x3FFE];
	_ =	sdelay $0x1  }
0x8a: {  	s1 =	srdreg.scid  }
0x8b: {  	s0 =	sand.u32 $0x1, s1  }
0x8c: {  	s17 =	sshll.u32 s0, $0xA;
	s2 =	sadd.s32 s3, s2  }
0x8d: {  	s2 =	sadd.s32 s2, s17  }
0x8e: {  	[smem:$0x3FC5] =	sst s2  }
0x8f: {  	_ = 	snop  }
0x90: {  	s2 =	sld [smem:$0x3FD0];
	(tm) =	ssettm $0x1  }
0x91: {  	s18 =	sld [smem:$0x3FFB];
	_ =	sdelay $0x3  }
0x92: {  	_ =	strace s18  }
0x93: {  	s3 =	sld [smem:$0x3FFC];
	_ =	sdelay $0x3  }
0x94: {  	_ =	strace s3  }
0x95: {  	s3 =	sld [smem:$0x3FFD];
	_ =	sdelay $0x3  }
0x96: {  	_ =	strace s3  }
0x97: {  	_ =	strace $0x8FFFFFFF  }
0x98: {  	s19 =	sld [smem:$0x3FDB];
	_ =	sdelay $0x1  }
0x99: {  	s4 =	simm.s32 $_scs_section_size  }
0x9a: {  	s5 =	simm.s32 $_size__tile_overlayer_lowered;
	s6 =	simm.s32 $_tile_overlayer_lowered  }
0x9b: {  	s22 =	simm.s32 $0x1BFF;
	s21 =	sshll.u32 s6, $0x1;
	s3 =	sadd.s32 s4, s19  }
0x9c: {  	s7 =	simm.s32 $0x0;
	s20 =	sshll.u32 s5, $0x1;
	s5 =	sadd.s32 s21, s3  }
0x9d: {  	[timem:s7], [sflag:s22] =	dma.local [hbm:s5], s20  }
0x9e: {  	_ =	swait.ge [sflag:s22], s20  }
0x9f: {  	s4 =	ssub.s32 $0x0, s20;
	[sflag:s22] =	ssyncset.done $0x0  }
0xa0: {  	[sflag:s22] =	ssyncadd.s32 s4;
	_ =	sdelay $0x1  }
0xa1: {  	s23 =	simm.s32 $0x1B8B  }
0xa2: {  	_ =	swait.ge [sflag:s23], $0x1  }
0xa3: {  	[sflag:s23] =	ssyncset.done $0x0  }
0xa4: {  	s25 =	simm.s32 $0x1B8E;
	s24 =	sld [smem:$0x3FFE];
	[sflag:s23] =	ssyncadd.s32 $0xFFFFFFFF  }
0xa5: {  	s26 =	simm.s32 $execute0_lowered;
	[smem:$0x3FD2] =	sst s25  }
0xa6: {  	s5 =	sshll.u32 s26, $0x1;
	_ =	strace $0x80000046;
	[dreg:$0x1] =	wrdreg $0xFFFFFFFF  }
0xa7: {  	s28 =	simm.s32 $_size_execute0_lowered;
	s3 =	sadd.s32 s3, s5;
	[dreg:$0x0] =	wrdreg $0x0  }
0xa8: {  	s5 =	sshll.u32 s28, $0x1;
	[dreg:$0x2] =	wrdreg s3  }
0xa9: {  	[dreg:$0x3] =	wrdreg s5  }
0xaa: {  	[dreg:$0x4] =	wrdreg $0xC0  }
0xab: {  	_ =	task [dreg:s7], $0x5FFFF  }
0xac: {  	[dreg:$0x1] =	wrdreg $0xFFFFFFFF  }
0xad: {  	[dreg:$0x0] =	wrdreg $0x60  }
0xae: {  	[dreg:$0x2] =	wrdreg s2  }
0xaf: {  	[dreg:$0x3] =	wrdreg s24  }
0xb0: {  	[dreg:$0x4] =	wrdreg $0x50800  }
0xb1: {  	[dreg:$0x5] =	wrdreg $0x9  }
0xb2: {  	_ =	task.clear_ibuf [dreg:s7], $0x6FFFF;
	_ =	strace $0x90000046  }
0xb3: {  	s29 =	simm.s32 $0x9;
	_ =	strace $0x80000048  }
0xb4: {  	_ =	swait.ge [sflag:s29], $0x1  }
0xb5: {  	[sflag:s29] =	ssyncadd.s32 $0xFFFFFFFF  }
0xb6: {  	_ =	strace $0x90000048  }
0xb7: {  	_ =	sfence  }
0xb8: {  	s30 =	sld [smem:$0x0];
	_ =	sdelay $0x2  }
0xb9: {  	s31 =	sshll.u32 s1, $0xD;
	s1 =	sshrl.u32 s1, $0x2  }
0xba: {  	s3 =	sand.u32 $0x4000, s31;
	s1 =	sadd.s32 s1, s30  }
0xbb: {  	s0 =	sor.u32 s3, s0;
	s1 =	sshll.u32 s1, $0x11  }
0xbc: {  	s0 =	sor.u32 s1, s0  }
0xbd: {  	s0 =	sadd.s32 $0x8F2B, s0  }
0xbe: {  	[sflag:s0] =	ssyncadd.remote.s32 $0x1  }
0xbf: {  	_ =	sfence.sel $0xFFFF  }
0xc0: {  	[dreg:$0x0] =	wrdreg $0xFFFFFFFF;
	(pc) =	sbr.abs _section_cstart, $3  }
0xc1: {  	[dreg:$0x1] =	wrdreg $0xFFFFFFFF  }
0xc2: {  	_ =	task.clear_ibuf [dreg:s7], $0x2FFFF;
	_ =	strace $0x9FFFFFFF  }
0xc3: {  	(tm) =	ssettm $0x7FFFFFFF  }
tec
execute0_lowered:
.L_overlay_start_1:
0x0: {  	(tag) =	ssettag $0x1  }
0x1: {  	s4 =	rddreg [dreg:$0x0]  }
0x2: {  	s1 =	srdreg.scid;
	s6 =	rddreg [dreg:$0x1]  }
0x3: {  	s0 =	stileid.u32;
	s2 =	rddreg [dreg:$0x2];
	s3 =	simm.s32 $0x0  }
0x4: {  	s9 =	simm.s32 $0x2;
	s10 =	simm.s32 $0x1;
	s11 =	simm.s32 $0x80  }
0x5: {  	s13 =	simm.s32 $0x2880;
	s5 =	sand.u32 $0x1, s1;
	s30 =	sshll.u32 s0, $0x1  }
0x6: {  	s14 =	simm.s32 $0x0;
	s12 =	smul.u32 $0x2780, s0;
	s7 =	sor.u32 s5, s30  }
0x7: {  	s1 =	rddreg [dreg:$0x3];
	s5 =	ssub.s32 $0x2, s5;
	s8 =	smul.u32 $0x4F0, s7  }
0x8: {  	[smem:$0x7FF] =	sst s3;
	s7 =	smul.u32 $0x500, s7;
	s31 =	sshrl.u32 s5, $0x1  }
0x9: {  	_ =	strace $0x80000047;
	s6 =	sadd.s32 s8, s6;
	s8 =	ssub.s32 s5, s31  }
0xa: {  	v0 =	vmov s12;
	s4 =	sadd.s32 s4, s7;
	s5 =	sadd.s32 s12, s2;
	s12 =	simm.s32 $0x2800  }
0xb: {  	v1 =	vimm.f32 $1.000000000e+00;
	v2 =	vimm.f32 $0.0e+00;
	s6 =	sadd.s32 $0x15000, s6;
	s7 =	smax.u32 s8, $0x1;
	s8 =	simm.s32 $0x2900  }
.LBB2_1:
0xc: {  	[tilespmem:s3], [sflag:$0x1] =	stream.linear.gather [hbm4b:s4+s3], $0x2800, $0x38;
	[tilespmem:$0x7800] =	vst v63  }
0xd: {  	[tilespmem:$0x2880] =	vst v1  }
0xe: {  	[tilespmem:$0x2890] =	vst v1  }
0xf: {  	[tilespmem:$0x28A0] =	vst v1  }
0x10: {  	[tilespmem:$0x28B0] =	vst v1  }
0x11: {  	[tilespmem:$0x28C0] =	vst v1  }
0x12: {  	[tilespmem:$0x28D0] =	vst v1  }
0x13: {  	[tilespmem:$0x28E0] =	vst v1  }
0x14: {  	s15 =	simm.s32 $0x40;
	s16 =	simm.s32 $0x0;
	[tilespmem:$0x28F0] =	vst v1  }
.LBB2_2:
0x15: {  	p0 =	sne.s32 s15, $0x9DC0;
	[tilespmem:s16+$0x2900] =	vst v2;
	s16 =	smov.u32 s15;
	s15 =	sadd.s32 $0x40, s15  }
.Ltmp0:
0x16: {  	(pc) =	sbr.rel @p0 .LBB2_2-.Ltmp0, $2  }
0x17: {  	_ =	sdelay $0x2  }
0x18: {  	s16 =	sshra.s32 s16, $0x2  }
0x19: {  	[tilespmem:s16+$0x2900] =	vst v2  }
0x1a: {  	[spmem:s5] =	stream.linear.scatter [tilespmem:s8], [sflag:$0x2], $0x2780, $0x38;
	[tilespmem:$0x7800] =	vst v63  }
0x1b: {  	_ =	swait.ge [sflag:s9], $0x2780  }
0x1c: {  	[sflag:s9] =	ssyncset.done $0x0  }
0x1d: {  	[sflag:s9] =	ssyncadd.s32 $0xFFFFD880  }
0x1e: {  	_ =	swait.ge [sflag:s10], $0x2800  }
0x1f: {  	[sflag:s10] =	ssyncset.done $0x0  }
0x20: {  	s15 =	simm.s32 $0x0;
	[sflag:s10] =	ssyncadd.s32 $0xFFFFD800  }
0x21: {  	v3 =	vld [tilespmem:s15+$0x0];
	_ =	sdelay $0x4  }
0x22: {  	v3 =	vadd.s32 v0, v3  }
0x23: {  	[tilespmem:$0x2800] =	vst v3  }
0x24: {  	v3 =	vld [tilespmem:s15+$0x10];
	_ =	sdelay $0x4  }
0x25: {  	v3 =	vadd.s32 v0, v3  }
0x26: {  	[tilespmem:$0x2810] =	vst v3  }
0x27: {  	v3 =	vld [tilespmem:s15+$0x20];
	_ =	sdelay $0x4  }
0x28: {  	v3 =	vadd.s32 v0, v3  }
0x29: {  	[tilespmem:$0x2820] =	vst v3  }
0x2a: {  	v3 =	vld [tilespmem:s15+$0x30];
	_ =	sdelay $0x4  }
0x2b: {  	v3 =	vadd.s32 v0, v3  }
0x2c: {  	[tilespmem:$0x2830] =	vst v3  }
0x2d: {  	v3 =	vld [tilespmem:s15+$0x40];
	_ =	sdelay $0x4  }
0x2e: {  	v3 =	vadd.s32 v0, v3  }
0x2f: {  	[tilespmem:$0x2840] =	vst v3  }
0x30: {  	v3 =	vld [tilespmem:s15+$0x50];
	_ =	sdelay $0x4  }
0x31: {  	v3 =	vadd.s32 v0, v3  }
0x32: {  	[tilespmem:$0x2850] =	vst v3  }
0x33: {  	v3 =	vld [tilespmem:s15+$0x60];
	_ =	sdelay $0x4  }
0x34: {  	v3 =	vadd.s32 v0, v3  }
0x35: {  	[tilespmem:$0x2860] =	vst v3  }
0x36: {  	v3 =	vld [tilespmem:s15+$0x70];
	_ =	sdelay $0x4  }
0x37: {  	v3 =	vadd.s32 v0, v3  }
0x38: {  	[tilespmem:$0x2870] =	vst v3  }
0x39: {  	[spmem:s2] =	stream.indirect.scatter.add.f32 [tilespmem:s13], [sflag:$0x2], $0x1, s12, s11, $0xb8;
	[tilespmem:$0x7800] =	vst v63  }
0x3a: {  	_ =	swait.ge [sflag:s9], $0x80  }
0x3b: {  	s18 =	simm.s32 $0x400;
	s15 =	simm.s32 $0x200;
	[sflag:s9] =	ssyncset.done $0x0  }
.LBB2_4:
0x3c: {  	s17 =	sshra.s32 s15, $0x2  }
0x3d: {  	[sflag:s9] =	ssyncadd.s32 $0xFFFFFF80;
	s15 =	smov.u32 s18;
	s16 =	sadd.s32 $0x200, s18  }
0x3e: {  	p0 =	sne.s32 s18, $0x9E00;
	v3 =	vld [tilespmem:s17+$0x0];
	_ =	sdelay $0x4  }
0x3f: {  	v3 =	vadd.s32 v0, v3  }
0x40: {  	[tilespmem:$0x2800] =	vst v3  }
0x41: {  	v3 =	vld [tilespmem:s17+$0x10];
	_ =	sdelay $0x4  }
0x42: {  	v3 =	vadd.s32 v0, v3  }
0x43: {  	[tilespmem:$0x2810] =	vst v3  }
0x44: {  	v3 =	vld [tilespmem:s17+$0x20];
	_ =	sdelay $0x4  }
0x45: {  	v3 =	vadd.s32 v0, v3  }
0x46: {  	[tilespmem:$0x2820] =	vst v3  }
0x47: {  	v3 =	vld [tilespmem:s17+$0x30];
	_ =	sdelay $0x4  }
0x48: {  	v3 =	vadd.s32 v0, v3  }
0x49: {  	[tilespmem:$0x2830] =	vst v3  }
0x4a: {  	v3 =	vld [tilespmem:s17+$0x40];
	_ =	sdelay $0x4  }
0x4b: {  	v3 =	vadd.s32 v0, v3  }
0x4c: {  	[tilespmem:$0x2840] =	vst v3  }
0x4d: {  	v3 =	vld [tilespmem:s17+$0x50];
	_ =	sdelay $0x4  }
0x4e: {  	v3 =	vadd.s32 v0, v3  }
0x4f: {  	[tilespmem:$0x2850] =	vst v3  }
0x50: {  	v3 =	vld [tilespmem:s17+$0x60];
	_ =	sdelay $0x4  }
0x51: {  	v3 =	vadd.s32 v0, v3  }
0x52: {  	[tilespmem:$0x2860] =	vst v3  }
0x53: {  	v3 =	vld [tilespmem:s17+$0x70];
	_ =	sdelay $0x4  }
.Ltmp1:
0x54: {  	v3 =	vadd.s32 v0, v3;
	(pc) =	sbr.rel @p0 .LBB2_4-.Ltmp1, $4  }
0x55: {  	[tilespmem:$0x2870] =	vst v3  }
0x56: {  	[spmem:s2] =	stream.indirect.scatter.add.f32 [tilespmem:s13], [sflag:$0x2], $0x1, s12, s11, $0xb8;
	[tilespmem:$0x7800] =	vst v63  }
0x57: {  	_ =	swait.ge [sflag:s9], $0x80  }
0x58: {  	s18 =	smov.u32 s16;
	[sflag:s9] =	ssyncset.done $0x0  }
0x59: {  	s15 =	sshra.s32 s15, $0x2;
	[sflag:s9] =	ssyncadd.s32 $0xFFFFFF80  }
0x5a: {  	v3 =	vld [tilespmem:s15+$0x0];
	_ =	sdelay $0x4  }
0x5b: {  	v3 =	vadd.s32 v0, v3  }
0x5c: {  	[tilespmem:$0x2800] =	vst v3  }
0x5d: {  	v3 =	vld [tilespmem:s15+$0x10];
	_ =	sdelay $0x4  }
0x5e: {  	v3 =	vadd.s32 v0, v3  }
0x5f: {  	[tilespmem:$0x2810] =	vst v3  }
0x60: {  	v3 =	vld [tilespmem:s15+$0x20];
	_ =	sdelay $0x4  }
0x61: {  	v3 =	vadd.s32 v0, v3  }
0x62: {  	[tilespmem:$0x2820] =	vst v3  }
0x63: {  	v3 =	vld [tilespmem:s15+$0x30];
	_ =	sdelay $0x4  }
0x64: {  	v3 =	vadd.s32 v0, v3  }
0x65: {  	[tilespmem:$0x2830] =	vst v3  }
0x66: {  	v3 =	vld [tilespmem:s15+$0x40];
	_ =	sdelay $0x4  }
0x67: {  	v3 =	vadd.s32 v0, v3  }
0x68: {  	[tilespmem:$0x2840] =	vst v3  }
0x69: {  	v3 =	vld [tilespmem:s15+$0x50];
	_ =	sdelay $0x4  }
0x6a: {  	v3 =	vadd.s32 v0, v3  }
0x6b: {  	[tilespmem:$0x2850] =	vst v3  }
0x6c: {  	v3 =	vld [tilespmem:s15+$0x60];
	_ =	sdelay $0x4  }
0x6d: {  	v3 =	vadd.s32 v0, v3  }
0x6e: {  	[tilespmem:$0x2860] =	vst v3  }
0x6f: {  	v3 =	vld [tilespmem:s15+$0x70];
	_ =	sdelay $0x4  }
0x70: {  	v3 =	vadd.s32 v0, v3  }
0x71: {  	[tilespmem:$0x2870] =	vst v3  }
0x72: {  	[spmem:s2] =	stream.indirect.scatter.add.f32 [tilespmem:s13], [sflag:$0x2], $0x1, s12, s11, $0xb8;
	[tilespmem:$0x7800] =	vst v63  }
0x73: {  	_ =	swait.ge [sflag:s9], $0x80  }
0x74: {  	[sflag:s9] =	ssyncset.done $0x0  }
0x75: {  	[sflag:s9] =	ssyncadd.s32 $0xFFFFFF80  }
0x76: {  	[tilespmem:s8], [sflag:$0x2] =	stream.linear.gather [spmem:s5], $0x2780, $0x38;
	[tilespmem:$0x7800] =	vst v63  }
0x77: {  	s14 =	sadd.s32 $0x1, s14;
	_ =	swait.ge [sflag:s9], $0x2780  }
0x78: {  	p0 =	sne.s32 s14, s7;
	[sflag:s9] =	ssyncset.done $0x0  }
.Ltmp2:
0x79: {  	[sflag:s9] =	ssyncadd.s32 $0xFFFFD880;
	(pc) =	sbr.rel @p0 .LBB2_1-.Ltmp2, $4  }
0x7a: {  	[hbm4b:s6+s3] =	stream.linear.scatter [tilespmem:s8], [sflag:$0x2], $0x2780, $0x38;
	[tilespmem:$0x7800] =	vst v63  }
0x7b: {  	_ =	swait.ge [sflag:s9], $0x2780  }
0x7c: {  	[sflag:s9] =	ssyncset.done $0x0  }
0x7d: {  	[sflag:s9] =	ssyncadd.s32 $0xFFFFD880  }
0x7e: {  	_ =	sfence.sel $0x180000  }
0x7f: {  	[bflag:$0x0] =	sbarrier.arrive $0xFFFF  }
0x80: {  	p0 =	sne.s32 s0, $0x0;
	_ =	strace $0x90000047  }
0x81: {  	s0 =	sadd.s32 @!p0 $0x100000, s1;
	[bflag:$0x2] =	sbarrier.arrive $0xFFFF  }
0x82: {  	[sflag:s0] =	ssyncadd.tile.s32 @!p0 $0x1;
	_ =	shalt  }
.Lfunc_end2:
_tile_overlayer_lowered:
.L_overlay_start_2:
0x83: {  	(tag) =	ssettag $0x2  }
0x84: {  	s0 =	rddreg [dreg:$0x0];
	s2 =	stileid.u32  }
0x85: {  	s1 =	rddreg [dreg:$0x1];
	p0 =	sne.s32 s2, $0x0  }
0x86: {  	s3 =	rddreg [dreg:$0x2];
	[bflag:$0x3] =	sbarrier.arrive $0xFFFF;
	s2 =	simm.s32 @!p0 $0x1C02  }
0x87: {  	[timem:s3], [sflag:s2] =	dma.local @!p0 [hbm:s0], s1  }
0x88: {  	s0 =	simm.s32 @!p0 $0x2  }
0x89: {  	_ =	swait.ge @!p0 [sflag:s0], s1  }
0x8a: {  	s1 =	ssub.s32 @!p0 $0x0, s1;
	[sflag:s0] =	ssyncset.done @!p0 $0x0  }
0x8b: {  	[sflag:s0] =	ssyncadd.s32 @!p0 s1  }
0x8c: {  	[bflag:$0x3] =	sbarrier.arrive $0xFFFF  }
0x8d: {  	_ =	shalt  }

// kernel: kernel.9.cloned.1.call-start
scs
__scs_entry_jumppad:
0x0: {  	(pc) =	sbr.rel $0x88, $3  }
0x1: {  	(tag) =	ssettag $0x0;
	lr =	simm.s32 $0x1  }
0x2: {  	[smem:$0x3F9E] =	sst lr;
	_ =	strace $0xD0000000  }
0x3: {  	_ = 	snop  }
0x4: {  	_ = 	snop  }
0x5: {  	_ = 	snop  }
0x6: {  	_ = 	snop  }
0x7: {  	_ = 	snop  }
__scs_overlays_trampoline_lowered:
0x8: {  	[smem:$0x3FAD] =	sst s0  }
0x9: {  	[smem:$0x3FAE] =	sst s1  }
0xa: {  	[smem:$0x3FAF] =	sst s2  }
0xb: {  	[smem:$0x3FB0] =	sst s3  }
0xc: {  	[smem:$0x3FB1] =	sst s4  }
0xd: {  	[smem:$0x3FB2] =	sst s5  }
0xe: {  	[smem:$0x3FB3] =	sst s6  }
0xf: {  	[smem:$0x3FB4] =	sst s7  }
0x10: {  	[smem:$0x3FB5] =	sst s8  }
0x11: {  	[smem:$0x3FB6] =	sst s9;
	s0 =	simm.s32 @!p0 $0x0  }
0x12: {  	s1 =	sld [smem:$0x3F9C];
	s0 =	simm.s32 @p0 $0x1  }
0x13: {  	[smem:$0x3FB7] =	sst s0;
	s0 =	simm.s32 @!p1 $0x0  }
0x14: {  	s2 =	sld [smem:$0x3F9B];
	s0 =	simm.s32 @p1 $0x1  }
0x15: {  	[smem:$0x3FB8] =	sst s0;
	s0 =	simm.s32 @!p2 $0x0  }
0x16: {  	s3 =	sld [smem:$0x3FDB];
	s0 =	simm.s32 @p2 $0x1  }
0x17: {  	s4 =	simm.s32 $0x1BF5;
	[smem:$0x3FBA] =	sst s0  }
0x18: {  	s0 =	sld [smem:$0x3F9D];
	_ =	swait.ge [sflag:s4], $0x0  }
0x19: {  	s7 =	sld [smem:$0x3F9E]  }
0x1a: {  	s8 =	sadd.s32 $0xFFFFE003, lr  }
0x1b: {  	s9 =	sadd.s32 $0xFFFFFEF7, lr;
	s5 =	simm.s32 $0xFFFFFFFF;
	p2 =	slt.u32 s8, $0xFFFFF086  }
0x1c: {  	p1 =	slt.u32 s9, $0xF7A;
	s5 =	simm.s32 @!p2 $0x0  }
0x1d: {  	s5 =	simm.s32 @p1 $0x1;
	p0 =	seq.s32 s7, s2  }
0x1e: {  	s7 =	smul.u32 @!p0 $0xF7A, s2;
	p2 =	seq.s32 @!p0 s5, $0x0  }
0x1f: {  	s9 =	smul.u32 $0xF7A, s1;
	s8 =	simm.s32 @!p0 $0x1BF5;
	p2 =	por !p2, p0  }
0x20: {  	[sflag:s8] =	ssyncset.s32 @!p0 $0xFFFFF086;
	s6 =	sadd.s32 @!p0 s3, s7;
	s7 =	simm.s32 @!p0 $0x108  }
0x21: {  	s3 =	sadd.s32 s3, s9;
	s6 =	sadd.s32 @!p0 $0x88, s6;
	s7 =	simm.s32 @p2 $0x1082  }
0x22: {  	[simem:s7], [sflag:s8] =	dma.local @!p0 [hbm:s6], $0xF7A  }
0x23: {  	s9 =	sor.u32 $0xD0000000, s2;
	s6 =	simm.s32 $0x108;
	_ =	swait.ge @!p0 [sflag:s8], $0x0  }
0x24: {  	s3 =	sadd.s32 $0x88, s3;
	s6 =	simm.s32 @!p1 $0x1082;
	[sflag:s4] =	ssyncset.s32 $0xFFFFF086  }
0x25: {  	[simem:s6], [sflag:s4] =	dma.local [hbm:s3], $0xF7A  }
0x26: {  	[smem:$0x3F9E] =	sst s1;
	(tag) =	ssettag s2;
	_ =	strace s9  }
0x27: {  	s1 =	sld [smem:$0x3FAE]  }
0x28: {  	s2 =	sld [smem:$0x3FAF]  }
0x29: {  	s4 =	sld [smem:$0x3FB1]  }
0x2a: {  	p0 =	seq.s32 s5, $0x0;
	s5 =	sld [smem:$0x3FB2]  }
0x2b: {  	s6 =	sld [smem:$0x3FB3]  }
0x2c: {  	s7 =	sld [smem:$0x3FB4]  }
0x2d: {  	s3 =	simm.s32 $0x108;
	s8 =	sld [smem:$0x3FB5]  }
0x2e: {  	s3 =	simm.s32 @!p0 $0x1082;
	s9 =	sld [smem:$0x3FB6]  }
0x2f: {  	lr =	sadd.s32 s0, s3;
	s0 =	sld [smem:$0x3FAD]  }
0x30: {  	s3 =	sld [smem:$0x3FB0]  }
0x31: {  	[smem:$0x3FB9] =	sst s10  }
0x32: {  	s10 =	sld [smem:$0x3FB7];
	_ =	sdelay $0x3  }
0x33: {  	p0 =	seq.s32 s10, $0x1;
	s10 =	sld [smem:$0x3FB9];
	_ =	sdelay $0x3  }
0x34: {  	[smem:$0x3FB9] =	sst s10  }
0x35: {  	s10 =	sld [smem:$0x3FB8];
	_ =	sdelay $0x3  }
0x36: {  	p1 =	seq.s32 s10, $0x1;
	s10 =	sld [smem:$0x3FB9];
	_ =	sdelay $0x3  }
0x37: {  	[smem:$0x3FB9] =	sst s10  }
0x38: {  	s10 =	sld [smem:$0x3FBA]  }
0x39: {  	_ = 	snop;
	(pc) =	sbr.ind lr, $3  }
0x3a: {  	_ = 	snop  }
0x3b: {  	_ = 	snop  }
0x3c: {  	p2 =	seq.s32 s10, $0x1;
	s10 =	sld [smem:$0x3FB9]  }
0x3d: {  	_ =	shalt  }
0x3e: {  	_ =	shalt  }
0x3f: {  	_ =	shalt  }
0x40: {  	_ =	shalt  }
0x41: {  	_ =	shalt  }
0x42: {  	_ =	shalt  }
0x43: {  	_ =	shalt  }
0x44: {  	_ =	shalt  }
0x45: {  	_ =	shalt  }
0x46: {  	_ =	shalt  }
0x47: {  	_ =	shalt  }
0x48: {  	_ =	shalt  }
0x49: {  	_ =	shalt  }
0x4a: {  	_ =	shalt  }
0x4b: {  	_ =	shalt  }
0x4c: {  	_ =	shalt  }
0x4d: {  	_ =	shalt  }
0x4e: {  	_ =	shalt  }
0x4f: {  	_ =	shalt  }
0x50: {  	_ =	shalt  }
0x51: {  	_ =	shalt  }
0x52: {  	_ =	shalt  }
0x53: {  	_ =	shalt  }
0x54: {  	_ =	shalt  }
0x55: {  	_ =	shalt  }
0x56: {  	_ =	shalt  }
0x57: {  	_ =	shalt  }
0x58: {  	_ =	shalt  }
0x59: {  	_ =	shalt  }
0x5a: {  	_ =	shalt  }
0x5b: {  	_ =	shalt  }
0x5c: {  	_ =	shalt  }
0x5d: {  	_ =	shalt  }
0x5e: {  	_ =	shalt  }
0x5f: {  	_ =	shalt  }
0x60: {  	_ =	shalt  }
0x61: {  	_ =	shalt  }
0x62: {  	_ =	shalt  }
0x63: {  	_ =	shalt  }
0x64: {  	_ =	shalt  }
0x65: {  	_ =	shalt  }
0x66: {  	_ =	shalt  }
0x67: {  	_ =	shalt  }
0x68: {  	_ =	shalt  }
0x69: {  	_ =	shalt  }
0x6a: {  	_ =	shalt  }
0x6b: {  	_ =	shalt  }
0x6c: {  	_ =	shalt  }
0x6d: {  	_ =	shalt  }
0x6e: {  	_ =	shalt  }
0x6f: {  	_ =	shalt  }
0x70: {  	_ =	shalt  }
0x71: {  	_ =	shalt  }
0x72: {  	_ =	shalt  }
0x73: {  	_ =	shalt  }
0x74: {  	_ =	shalt  }
0x75: {  	_ =	shalt  }
0x76: {  	_ =	shalt  }
0x77: {  	_ =	shalt  }
0x78: {  	_ =	shalt  }
0x79: {  	_ =	shalt  }
0x7a: {  	_ =	shalt  }
0x7b: {  	_ =	shalt  }
0x7c: {  	_ =	shalt  }
0x7d: {  	_ =	shalt  }
0x7e: {  	_ =	shalt  }
0x7f: {  	_ =	shalt  }
0x80: {  	_ =	shalt  }
0x81: {  	_ =	shalt  }
0x82: {  	_ =	shalt  }
0x83: {  	_ =	shalt  }
0x84: {  	_ =	shalt  }
0x85: {  	_ =	shalt  }
0x86: {  	_ =	shalt  }
0x87: {  	_ =	shalt  }
.Lfunc_end0:
.L_simem_size_0:
called_computation.1_lowered:
.L_overlay_start_0:
0x88: {  	s2 =	sld [smem:$0x3FD9]  }
0x89: {  	s3 =	sld [smem:$0x3FFE];
	_ =	sdelay $0x1  }
0x8a: {  	s1 =	srdreg.scid  }
0x8b: {  	s0 =	sand.u32 $0x1, s1  }
0x8c: {  	s17 =	sshll.u32 s0, $0xA;
	s2 =	sadd.s32 s3, s2  }
0x8d: {  	s2 =	sadd.s32 s2, s17  }
0x8e: {  	[smem:$0x3FC5] =	sst s2  }
0x8f: {  	_ = 	snop  }
0x90: {  	s2 =	sld [smem:$0x3FD0];
	(tm) =	ssettm $0x1  }
0x91: {  	s18 =	sld [smem:$0x3FFB];
	_ =	sdelay $0x3  }
0x92: {  	_ =	strace s18  }
0x93: {  	s3 =	sld [smem:$0x3FFC];
	_ =	sdelay $0x3  }
0x94: {  	_ =	strace s3  }
0x95: {  	s3 =	sld [smem:$0x3FFD];
	_ =	sdelay $0x3  }
0x96: {  	_ =	strace s3  }
0x97: {  	_ =	strace $0x8FFFFFFF  }
0x98: {  	s19 =	sld [smem:$0x3FDB];
	_ =	sdelay $0x1  }
0x99: {  	s4 =	simm.s32 $_scs_section_size  }
0x9a: {  	s5 =	simm.s32 $_size__tile_overlayer_lowered;
	s6 =	simm.s32 $_tile_overlayer_lowered  }
0x9b: {  	s22 =	simm.s32 $0x1BFF;
	s21 =	sshll.u32 s6, $0x1;
	s3 =	sadd.s32 s4, s19  }
0x9c: {  	s7 =	simm.s32 $0x0;
	s20 =	sshll.u32 s5, $0x1;
	s5 =	sadd.s32 s21, s3  }
0x9d: {  	[timem:s7], [sflag:s22] =	dma.local [hbm:s5], s20  }
0x9e: {  	_ =	swait.ge [sflag:s22], s20  }
0x9f: {  	s4 =	ssub.s32 $0x0, s20;
	[sflag:s22] =	ssyncset.done $0x0  }
0xa0: {  	[sflag:s22] =	ssyncadd.s32 s4;
	_ =	sdelay $0x1  }
0xa1: {  	s23 =	simm.s32 $0x1B8B  }
0xa2: {  	_ =	swait.ge [sflag:s23], $0x1  }
0xa3: {  	[sflag:s23] =	ssyncset.done $0x0  }
0xa4: {  	s25 =	simm.s32 $0x1B8E;
	s24 =	sld [smem:$0x3FFE];
	[sflag:s23] =	ssyncadd.s32 $0xFFFFFFFF  }
0xa5: {  	s26 =	simm.s32 $execute0_lowered;
	[smem:$0x3FD2] =	sst s25  }
0xa6: {  	s5 =	sshll.u32 s26, $0x1;
	_ =	strace $0x80000049;
	[dreg:$0x1] =	wrdreg $0xFFFFFFFF  }
0xa7: {  	s28 =	simm.s32 $_size_execute0_lowered;
	s3 =	sadd.s32 s3, s5;
	[dreg:$0x0] =	wrdreg $0x0  }
0xa8: {  	s5 =	sshll.u32 s28, $0x1;
	[dreg:$0x2] =	wrdreg s3  }
0xa9: {  	[dreg:$0x3] =	wrdreg s5  }
0xaa: {  	[dreg:$0x4] =	wrdreg $0xC0  }
0xab: {  	_ =	task [dreg:s7], $0x5FFFF  }
0xac: {  	[dreg:$0x1] =	wrdreg $0xFFFFFFFF  }
0xad: {  	[dreg:$0x0] =	wrdreg $0x60  }
0xae: {  	[dreg:$0x2] =	wrdreg s24  }
0xaf: {  	[dreg:$0x3] =	wrdreg s2  }
0xb0: {  	[dreg:$0x4] =	wrdreg $0xA8000  }
0xb1: {  	[dreg:$0x5] =	wrdreg $0x9  }
0xb2: {  	_ =	task.clear_ibuf [dreg:s7], $0x6FFFF;
	_ =	strace $0x90000049  }
0xb3: {  	s29 =	simm.s32 $0x9;
	_ =	strace $0x8000004B  }
0xb4: {  	_ =	swait.ge [sflag:s29], $0x1  }
0xb5: {  	[sflag:s29] =	ssyncadd.s32 $0xFFFFFFFF  }
0xb6: {  	_ =	strace $0x9000004B  }
0xb7: {  	_ =	sfence  }
0xb8: {  	s30 =	sld [smem:$0x0];
	_ =	sdelay $0x2  }
0xb9: {  	s31 =	sshll.u32 s1, $0xD;
	s1 =	sshrl.u32 s1, $0x2  }
0xba: {  	s3 =	sand.u32 $0x4000, s31;
	s1 =	sadd.s32 s1, s30  }
0xbb: {  	s0 =	sor.u32 s3, s0;
	s1 =	sshll.u32 s1, $0x11  }
0xbc: {  	s0 =	sor.u32 s1, s0  }
0xbd: {  	s0 =	sadd.s32 $0x8F2B, s0  }
0xbe: {  	[sflag:s0] =	ssyncadd.remote.s32 $0x1  }
0xbf: {  	_ =	sfence.sel $0xFFFF  }
0xc0: {  	[dreg:$0x0] =	wrdreg $0xFFFFFFFF;
	(pc) =	sbr.abs _section_cstart, $3  }
0xc1: {  	[dreg:$0x1] =	wrdreg $0xFFFFFFFF  }
0xc2: {  	_ =	task.clear_ibuf [dreg:s7], $0x2FFFF;
	_ =	strace $0x9FFFFFFF  }
0xc3: {  	(tm) =	ssettm $0x7FFFFFFF  }
tec
execute0_lowered:
.L_overlay_start_1:
0x0: {  	(tag) =	ssettag $0x1  }
0x1: {  	s0 =	rddreg [dreg:$0x0]  }
0x2: {  	s1 =	rddreg [dreg:$0x1]  }
0x3: {  	s2 =	rddreg [dreg:$0x2];
	s4 =	simm.s32 $0x0;
	s3 =	srdreg.scid  }
0x4: {  	s8 =	stileid.u32;
	s28 =	simm.s32 $0x2;
	s29 =	simm.s32 $0x1380  }
0x5: {  	s30 =	simm.s32 $0x2700;
	s31 =	simm.s32 $0x2780;
	[smem:$0x7FF] =	sst s4  }
0x6: {  	s3 =	sand.u32 $0x1, s3;
	s10 =	sadd.s32 $0x1000, s0;
	s6 =	smul.u32 $0x4F000, s8  }
0x7: {  	s13 =	sadd.s32 $0xB000, s0;
	s14 =	smul.u32 $0x13C00, s8;
	s0 =	sadd.s32 $0x15000, s0  }
0x8: {  	s18 =	sshll.u32 s8, $0x1;
	_ =	strace $0x8000004A;
	s5 =	ssub.s32 $0x2, s3  }
0x9: {  	s9 =	sor.u32 s3, s18;
	s3 =	smul.u32 $0x13C000, s3;
	s7 =	sshrl.u32 s5, $0x1  }
0xa: {  	s20 =	sshrl.u32 s6, $0x2;
	s15 =	sadd.s32 $0x4000, s14;
	s16 =	sadd.s32 $0x8000, s14  }
0xb: {  	s17 =	sadd.s32 $0xC000, s14;
	s11 =	smul.u32 $0x2800, s9;
	s18 =	sadd.s32 $0x10000, s14  }
0xc: {  	s12 =	smul.u32 $0x500, s9;
	s19 =	ssub.s32 s5, s7;
	s5 =	sadd.s32 s20, s2  }
0xd: {  	s6 =	sadd.s32 s15, s2;
	s7 =	sadd.s32 s16, s2;
	s8 =	sadd.s32 s17, s2  }
0xe: {  	s9 =	sadd.s32 s18, s2;
	s23 =	sadd.s32 s14, s3;
	s24 =	sadd.s32 s3, s15  }
0xf: {  	s25 =	sadd.s32 s3, s16;
	s17 =	sadd.s32 s3, s17;
	s3 =	sadd.s32 s3, s18  }
0x10: {  	s20 =	sshrl.u32 s11, $0x3;
	s21 =	sadd.s32 s10, s12;
	s22 =	sadd.s32 s13, s12  }
0x11: {  	s15 =	sshrl.u32 s24, $0x3;
	s26 =	sshrl.u32 s17, $0x3;
	s3 =	sshrl.u32 s3, $0x3  }
0x12: {  	s19 =	smax.u32 s19, $0x1;
	s24 =	simm.s32 $0x80;
	[dreg:$0x4] =	wrdreg s21  }
0x13: {  	[dreg:$0x5] =	wrdreg s22;
	s20 =	sadd.s32 $0x280, s20;
	s15 =	sadd.s32 s0, s15  }
0x14: {  	s17 =	sadd.s32 s0, s26;
	s18 =	sadd.s32 s0, s3;
	s21 =	simm.s32 $0x4  }
0x15: {  	s22 =	simm.s32 $0x1400;
	s26 =	simm.s32 $0x6800;
	s12 =	sadd.s32 s10, s20  }
0x16: {  	s13 =	sadd.s32 s13, s20;
	s10 =	sshrl.u32 s23, $0x3;
	s20 =	simm.s32 $0x2800  }
0x17: {  	s23 =	simm.s32 $0x3;
	s14 =	sadd.s32 s0, s10;
	s10 =	sshrl.u32 s25, $0x3  }
0x18: {  	v0 =	vimm.f32 $0.0e+00;
	s25 =	simm.s32 $0x1;
	s16 =	sadd.s32 s0, s10;
	s0 =	simm.s32 $0x0  }
.LBB2_1:
0x19: {  	s3 =	simm.s32 $0x0;
	s10 =	simm.s32 $0x200  }
.LBB2_2:
0x1a: {  	p0 =	sne.s32 s10, $0xFE00;
	[tilespmem:s3+$0x2870] =	vst v0  }
0x1b: {  	[tilespmem:s3+$0x2800] =	vst v0  }
0x1c: {  	[tilespmem:s3+$0x2810] =	vst v0  }
.Ltmp0:
0x1d: {  	[tilespmem:s3+$0x2820] =	vst v0;
	(pc) =	sbr.rel @p0 .LBB2_2-.Ltmp0, $4  }
0x1e: {  	[tilespmem:s3+$0x2830] =	vst v0  }
0x1f: {  	[tilespmem:s3+$0x2840] =	vst v0  }
0x20: {  	[tilespmem:s3+$0x2850] =	vst v0  }
0x21: {  	[tilespmem:s3+$0x2860] =	vst v0;
	s3 =	sshra.s32 s10, $0x2;
	s10 =	sadd.s32 $0x200, s10  }
0x22: {  	[tilespmem:s3+$0x2870] =	vst v0  }
0x23: {  	[tilespmem:s3+$0x2800] =	vst v0  }
0x24: {  	[tilespmem:s3+$0x2810] =	vst v0  }
0x25: {  	[tilespmem:s3+$0x2820] =	vst v0  }
0x26: {  	[tilespmem:s3+$0x2830] =	vst v0  }
0x27: {  	[tilespmem:s3+$0x2840] =	vst v0  }
0x28: {  	[tilespmem:s3+$0x2850] =	vst v0  }
0x29: {  	[tilespmem:s3+$0x2860] =	vst v0  }
0x2a: {  	[spmem:s5] =	stream.linear.scatter [tilespmem:s20], [sflag:$0x4], $0x4000, $0x38;
	[tilespmem:$0x1E400] =	vst v63  }
0x2b: {  	_ =	swait.ge [sflag:s21], $0x4000  }
0x2c: {  	[sflag:s21] =	ssyncset.done $0x0  }
0x2d: {  	[sflag:s21] =	ssyncadd.s32 $0xFFFFC000  }
0x2e: {  	[spmem:s6] =	stream.linear.scatter [tilespmem:s20], [sflag:$0x4], $0x4000, $0x38;
	[tilespmem:$0x1E400] =	vst v63  }
0x2f: {  	_ =	swait.ge [sflag:s21], $0x4000  }
0x30: {  	[sflag:s21] =	ssyncset.done $0x0  }
0x31: {  	[sflag:s21] =	ssyncadd.s32 $0xFFFFC000  }
0x32: {  	[spmem:s7] =	stream.linear.scatter [tilespmem:s20], [sflag:$0x4], $0x4000, $0x38;
	[tilespmem:$0x1E400] =	vst v63  }
0x33: {  	_ =	swait.ge [sflag:s21], $0x4000  }
0x34: {  	[sflag:s21] =	ssyncset.done $0x0  }
0x35: {  	[sflag:s21] =	ssyncadd.s32 $0xFFFFC000  }
0x36: {  	[spmem:s8] =	stream.linear.scatter [tilespmem:s20], [sflag:$0x4], $0x4000, $0x38;
	[tilespmem:$0x1E400] =	vst v63  }
0x37: {  	_ =	swait.ge [sflag:s21], $0x4000  }
0x38: {  	[sflag:s21] =	ssyncset.done $0x0  }
0x39: {  	[sflag:s21] =	ssyncadd.s32 $0xFFFFC000  }
0x3a: {  	[spmem:s9] =	stream.linear.scatter [tilespmem:s20], [sflag:$0x4], $0x3C00, $0x38;
	[tilespmem:$0x1E400] =	vst v63  }
0x3b: {  	_ =	swait.ge [sflag:s21], $0x3C00  }
0x3c: {  	[sflag:s21] =	ssyncset.done $0x0  }
0x3d: {  	[sflag:s21] =	ssyncadd.s32 $0xFFFFC400  }
0x3e: {  	[bflag:$0x0] =	sbarrier.arrive $0xFFFF  }
0x3f: {  	s3 =	simm.s32 $0x0;
	s10 =	rddreg [dreg:$0x4]  }
0x40: {  	[tilespmem:s3], [sflag:$0x3] =	stream.linear.gather [hbm4b:s10+s3], $0x1400, $0x38;
	[tilespmem:$0x1E400] =	vst v63  }
0x41: {  	s11 =	rddreg [dreg:$0x5]  }
0x42: {  	[tilespmem:s22], [sflag:$0x3] =	stream.linear.gather [hbm4b:s11+s3], $0x1400, $0x38;
	[tilespmem:$0x1E400] =	vst v63  }
0x43: {  	_ =	swait.ge [sflag:s23], $0x1400  }
0x44: {  	[sflag:s23] =	ssyncset.done $0x0  }
0x45: {  	[sflag:s23] =	ssyncadd.s32 $0xFFFFEC00  }
0x46: {  	_ =	swait.ge [sflag:s23], $0x1400  }
0x47: {  	[sflag:s23] =	ssyncset.done $0x0  }
0x48: {  	[sflag:s23] =	ssyncadd.s32 $0xFFFFEC00  }
0x49: {  	[tilespmem:s20], [sflag:$0x1] =	stream.indirect.gather [hbm4b:s1+s24], $0x80, s3, s24, $0xb8;
	[tilespmem:$0x1E400] =	vst v63  }
0x4a: {  	_ =	swait.ge [sflag:s25], $0x4000  }
0x4b: {  	[sflag:s25] =	ssyncset.done $0x0  }
0x4c: {  	s10 =	simm.s32 $0x80;
	[sflag:s25] =	ssyncadd.s32 $0xFFFFC000  }
0x4d: {  	[tilespmem:s26], [sflag:$0x2] =	stream.indirect.gather [hbm4b:s1+s24], $0x80, s10, s24, $0xb8;
	[tilespmem:$0x1E400] =	vst v63  }
0x4e: {  	s11 =	simm.s32 $0x1400  }
0x4f: {  	[spmem:s2] =	stream.indirect.scatter.add.f32 [tilespmem:s20], [sflag:$0x4], $0x80, s11, s24, $0xb8;
	[tilespmem:$0x1E400] =	vst v63  }
0x50: {  	_ =	swait.ge [sflag:s21], $0x4000  }
0x51: {  	[sflag:s21] =	ssyncset.done $0x0  }
0x52: {  	s10 =	simm.s32 $0x100;
	[sflag:s21] =	ssyncadd.s32 $0xFFFFC000  }
0x53: {  	[tilespmem:s20], [sflag:$0x1] =	stream.indirect.gather [hbm4b:s1+s24], $0x80, s10, s24, $0xb8;
	[tilespmem:$0x1E400] =	vst v63  }
0x54: {  	_ =	swait.ge [sflag:s28], $0x4000  }
0x55: {  	[sflag:s28] =	ssyncset.done $0x0  }
0x56: {  	s11 =	simm.s32 $0x1480;
	[sflag:s28] =	ssyncadd.s32 $0xFFFFC000  }
0x57: {  	[spmem:s2] =	stream.indirect.scatter.add.f32 [tilespmem:s26], [sflag:$0x4], $0x80, s11, s24, $0xb8;
	[tilespmem:$0x1E400] =	vst v63  }
0x58: {  	_ =	swait.ge [sflag:s21], $0x4000  }
0x59: {  	s3 =	simm.s32 $0x400;
	[sflag:s21] =	ssyncset.done $0x0  }
.LBB2_4:
0x5a: {  	p0 =	sne.s32 s3, $0x4800  }
0x5b: {  	[sflag:s21] =	ssyncadd.s32 $0xFFFFC000;
	s10 =	smov.u32 s3;
	s3 =	sadd.s32 $0x400, s3  }
0x5c: {  	_ =	swait.ge [sflag:s25], $0x4000  }
0x5d: {  	s10 =	sshra.s32 s10, $0x2;
	[sflag:s25] =	ssyncset.done $0x0  }
0x5e: {  	s11 =	sadd.s32 $0x80, s10;
	[sflag:s25] =	ssyncadd.s32 $0xFFFFC000  }
0x5f: {  	[tilespmem:s26], [sflag:$0x2] =	stream.indirect.gather [hbm4b:s1+s24], $0x80, s11, s24, $0xb8;
	[tilespmem:$0x1E400] =	vst v63  }
0x60: {  	s11 =	sadd.s32 $0x1400, s10  }
0x61: {  	[spmem:s2] =	stream.indirect.scatter.add.f32 [tilespmem:s20], [sflag:$0x4], $0x80, s11, s24, $0xb8;
	[tilespmem:$0x1E400] =	vst v63  }
0x62: {  	_ =	swait.ge [sflag:s21], $0x4000  }
0x63: {  	[sflag:s21] =	ssyncset.done $0x0  }
0x64: {  	s11 =	sadd.s32 $0x100, s10;
	[sflag:s21] =	ssyncadd.s32 $0xFFFFC000  }
0x65: {  	[tilespmem:s20], [sflag:$0x1] =	stream.indirect.gather [hbm4b:s1+s24], $0x80, s11, s24, $0xb8;
	[tilespmem:$0x1E400] =	vst v63  }
0x66: {  	_ =	swait.ge [sflag:s28], $0x4000  }
.Ltmp1:
0x67: {  	[sflag:s28] =	ssyncset.done $0x0;
	(pc) =	sbr.rel @p0 .LBB2_4-.Ltmp1, $4  }
0x68: {  	s10 =	sadd.s32 $0x1480, s10;
	[sflag:s28] =	ssyncadd.s32 $0xFFFFC000  }
0x69: {  	[spmem:s2] =	stream.indirect.scatter.add.f32 [tilespmem:s26], [sflag:$0x4], $0x80, s10, s24, $0xb8;
	[tilespmem:$0x1E400] =	vst v63  }
0x6a: {  	_ =	swait.ge [sflag:s21], $0x4000  }
0x6b: {  	[sflag:s21] =	ssyncset.done $0x0  }
0x6c: {  	[sflag:s21] =	ssyncadd.s32 $0xFFFFC000  }
0x6d: {  	_ =	swait.ge [sflag:s25], $0x4000  }
0x6e: {  	[sflag:s25] =	ssyncset.done $0x0  }
0x6f: {  	[sflag:s25] =	ssyncadd.s32 $0xFFFFC000  }
0x70: {  	[tilespmem:s26], [sflag:$0x2] =	stream.indirect.gather [hbm4b:s1+s24], $0x80, s29, s24, $0xb8;
	[tilespmem:$0x1E400] =	vst v63  }
0x71: {  	_ = 	snop  }
0x72: {  	[spmem:s2] =	stream.indirect.scatter.add.f32 [tilespmem:s20], [sflag:$0x4], $0x80, s30, s24, $0xb8;
	[tilespmem:$0x1E400] =	vst v63  }
0x73: {  	_ =	swait.ge [sflag:s21], $0x4000  }
0x74: {  	[sflag:s21] =	ssyncset.done $0x0  }
0x75: {  	[sflag:s21] =	ssyncadd.s32 $0xFFFFC000  }
0x76: {  	_ =	swait.ge [sflag:s28], $0x4000  }
0x77: {  	[sflag:s28] =	ssyncset.done $0x0  }
0x78: {  	[sflag:s28] =	ssyncadd.s32 $0xFFFFC000  }
0x79: {  	[spmem:s2] =	stream.indirect.scatter.add.f32 [tilespmem:s26], [sflag:$0x4], $0x80, s31, s24, $0xb8;
	[tilespmem:$0x1E400] =	vst v63  }
0x7a: {  	_ =	swait.ge [sflag:s21], $0x4000  }
0x7b: {  	[sflag:s21] =	ssyncset.done $0x0  }
0x7c: {  	s3 =	simm.s32 $0x0;
	[sflag:s21] =	ssyncadd.s32 $0xFFFFC000  }
0x7d: {  	[tilespmem:s3], [sflag:$0x3] =	stream.linear.gather [hbm4b:s12+s3], $0x1400, $0x38;
	[tilespmem:$0x1E400] =	vst v63  }
0x7e: {  	_ = 	snop  }
0x7f: {  	[tilespmem:s22], [sflag:$0x3] =	stream.linear.gather [hbm4b:s13+s3], $0x1400, $0x38;
	[tilespmem:$0x1E400] =	vst v63  }
0x80: {  	_ =	swait.ge [sflag:s23], $0x1400  }
0x81: {  	[sflag:s23] =	ssyncset.done $0x0  }
0x82: {  	[sflag:s23] =	ssyncadd.s32 $0xFFFFEC00  }
0x83: {  	_ =	swait.ge [sflag:s23], $0x1400  }
0x84: {  	[sflag:s23] =	ssyncset.done $0x0  }
0x85: {  	[sflag:s23] =	ssyncadd.s32 $0xFFFFEC00  }
0x86: {  	[tilespmem:s20], [sflag:$0x1] =	stream.indirect.gather [hbm4b:s1+s24], $0x80, s3, s24, $0xb8;
	[tilespmem:$0x1E400] =	vst v63  }
0x87: {  	_ =	swait.ge [sflag:s25], $0x4000  }
0x88: {  	[sflag:s25] =	ssyncset.done $0x0  }
0x89: {  	s10 =	simm.s32 $0x80;
	[sflag:s25] =	ssyncadd.s32 $0xFFFFC000  }
0x8a: {  	[tilespmem:s26], [sflag:$0x2] =	stream.indirect.gather [hbm4b:s1+s24], $0x80, s10, s24, $0xb8;
	[tilespmem:$0x1E400] =	vst v63  }
0x8b: {  	s11 =	simm.s32 $0x1400  }
0x8c: {  	[spmem:s2] =	stream.indirect.scatter.add.f32 [tilespmem:s20], [sflag:$0x4], $0x80, s11, s24, $0xb8;
	[tilespmem:$0x1E400] =	vst v63  }
0x8d: {  	_ =	swait.ge [sflag:s21], $0x4000  }
0x8e: {  	[sflag:s21] =	ssyncset.done $0x0  }
0x8f: {  	s10 =	simm.s32 $0x100;
	[sflag:s21] =	ssyncadd.s32 $0xFFFFC000  }
0x90: {  	[tilespmem:s20], [sflag:$0x1] =	stream.indirect.gather [hbm4b:s1+s24], $0x80, s10, s24, $0xb8;
	[tilespmem:$0x1E400] =	vst v63  }
0x91: {  	_ =	swait.ge [sflag:s28], $0x4000  }
0x92: {  	[sflag:s28] =	ssyncset.done $0x0  }
0x93: {  	s11 =	simm.s32 $0x1480;
	[sflag:s28] =	ssyncadd.s32 $0xFFFFC000  }
0x94: {  	[spmem:s2] =	stream.indirect.scatter.add.f32 [tilespmem:s26], [sflag:$0x4], $0x80, s11, s24, $0xb8;
	[tilespmem:$0x1E400] =	vst v63  }
0x95: {  	_ =	swait.ge [sflag:s21], $0x4000  }
0x96: {  	s3 =	simm.s32 $0x400;
	[sflag:s21] =	ssyncset.done $0x0  }
.LBB2_6:
0x97: {  	p0 =	sne.s32 s3, $0x4800  }
0x98: {  	[sflag:s21] =	ssyncadd.s32 $0xFFFFC000;
	s10 =	smov.u32 s3;
	s3 =	sadd.s32 $0x400, s3  }
0x99: {  	_ =	swait.ge [sflag:s25], $0x4000  }
0x9a: {  	s10 =	sshra.s32 s10, $0x2;
	[sflag:s25] =	ssyncset.done $0x0  }
0x9b: {  	s11 =	sadd.s32 $0x80, s10;
	[sflag:s25] =	ssyncadd.s32 $0xFFFFC000  }
0x9c: {  	[tilespmem:s26], [sflag:$0x2] =	stream.indirect.gather [hbm4b:s1+s24], $0x80, s11, s24, $0xb8;
	[tilespmem:$0x1E400] =	vst v63  }
0x9d: {  	s11 =	sadd.s32 $0x1400, s10  }
0x9e: {  	[spmem:s2] =	stream.indirect.scatter.add.f32 [tilespmem:s20], [sflag:$0x4], $0x80, s11, s24, $0xb8;
	[tilespmem:$0x1E400] =	vst v63  }
0x9f: {  	_ =	swait.ge [sflag:s21], $0x4000  }
0xa0: {  	[sflag:s21] =	ssyncset.done $0x0  }
0xa1: {  	s11 =	sadd.s32 $0x100, s10;
	[sflag:s21] =	ssyncadd.s32 $0xFFFFC000  }
0xa2: {  	[tilespmem:s20], [sflag:$0x1] =	stream.indirect.gather [hbm4b:s1+s24], $0x80, s11, s24, $0xb8;
	[tilespmem:$0x1E400] =	vst v63  }
0xa3: {  	_ =	swait.ge [sflag:s28], $0x4000  }
.Ltmp2:
0xa4: {  	[sflag:s28] =	ssyncset.done $0x0;
	(pc) =	sbr.rel @p0 .LBB2_6-.Ltmp2, $4  }
0xa5: {  	s10 =	sadd.s32 $0x1480, s10;
	[sflag:s28] =	ssyncadd.s32 $0xFFFFC000  }
0xa6: {  	[spmem:s2] =	stream.indirect.scatter.add.f32 [tilespmem:s26], [sflag:$0x4], $0x80, s10, s24, $0xb8;
	[tilespmem:$0x1E400] =	vst v63  }
0xa7: {  	_ =	swait.ge [sflag:s21], $0x4000  }
0xa8: {  	[sflag:s21] =	ssyncset.done $0x0  }
0xa9: {  	[sflag:s21] =	ssyncadd.s32 $0xFFFFC000  }
0xaa: {  	_ =	swait.ge [sflag:s25], $0x4000  }
0xab: {  	[sflag:s25] =	ssyncset.done $0x0  }
0xac: {  	[sflag:s25] =	ssyncadd.s32 $0xFFFFC000  }
0xad: {  	[tilespmem:s26], [sflag:$0x2] =	stream.indirect.gather [hbm4b:s1+s24], $0x80, s29, s24, $0xb8;
	[tilespmem:$0x1E400] =	vst v63  }
0xae: {  	_ = 	snop  }
0xaf: {  	[spmem:s2] =	stream.indirect.scatter.add.f32 [tilespmem:s20], [sflag:$0x4], $0x80, s30, s24, $0xb8;
	[tilespmem:$0x1E400] =	vst v63  }
0xb0: {  	_ =	swait.ge [sflag:s21], $0x4000  }
0xb1: {  	[sflag:s21] =	ssyncset.done $0x0  }
0xb2: {  	[sflag:s21] =	ssyncadd.s32 $0xFFFFC000  }
0xb3: {  	_ =	swait.ge [sflag:s28], $0x4000  }
0xb4: {  	[sflag:s28] =	ssyncset.done $0x0  }
0xb5: {  	[sflag:s28] =	ssyncadd.s32 $0xFFFFC000  }
0xb6: {  	[spmem:s2] =	stream.indirect.scatter.add.f32 [tilespmem:s26], [sflag:$0x4], $0x80, s31, s24, $0xb8;
	[tilespmem:$0x1E400] =	vst v63  }
0xb7: {  	_ =	swait.ge [sflag:s21], $0x4000  }
0xb8: {  	[sflag:s21] =	ssyncset.done $0x0  }
0xb9: {  	[sflag:s21] =	ssyncadd.s32 $0xFFFFC000  }
0xba: {  	[bflag:$0x0] =	sbarrier.arrive $0xFFFF  }
0xbb: {  	[tilespmem:s20], [sflag:$0x4] =	stream.linear.gather [spmem:s5], $0x4000, $0x38;
	[tilespmem:$0x1E400] =	vst v63  }
0xbc: {  	_ =	swait.ge [sflag:s21], $0x4000  }
0xbd: {  	[sflag:s21] =	ssyncset.done $0x0  }
0xbe: {  	[sflag:s21] =	ssyncadd.s32 $0xFFFFC000  }
0xbf: {  	[hbm4b:s14+s4] =	stream.linear.scatter [tilespmem:s20], [sflag:$0x4], $0x4000, $0x38;
	[tilespmem:$0x1E400] =	vst v63  }
0xc0: {  	_ =	swait.ge [sflag:s21], $0x4000  }
0xc1: {  	[sflag:s21] =	ssyncset.done $0x0  }
0xc2: {  	[sflag:s21] =	ssyncadd.s32 $0xFFFFC000  }
0xc3: {  	[tilespmem:s20], [sflag:$0x4] =	stream.linear.gather [spmem:s6], $0x4000, $0x38;
	[tilespmem:$0x1E400] =	vst v63  }
0xc4: {  	_ =	swait.ge [sflag:s21], $0x4000  }
0xc5: {  	[sflag:s21] =	ssyncset.done $0x0  }
0xc6: {  	[sflag:s21] =	ssyncadd.s32 $0xFFFFC000  }
0xc7: {  	[hbm4b:s15+s4] =	stream.linear.scatter [tilespmem:s20], [sflag:$0x4], $0x4000, $0x38;
	[tilespmem:$0x1E400] =	vst v63  }
0xc8: {  	_ =	swait.ge [sflag:s21], $0x4000  }
0xc9: {  	[sflag:s21] =	ssyncset.done $0x0  }
0xca: {  	[sflag:s21] =	ssyncadd.s32 $0xFFFFC000  }
0xcb: {  	[tilespmem:s20], [sflag:$0x4] =	stream.linear.gather [spmem:s7], $0x4000, $0x38;
	[tilespmem:$0x1E400] =	vst v63  }
0xcc: {  	_ =	swait.ge [sflag:s21], $0x4000  }
0xcd: {  	[sflag:s21] =	ssyncset.done $0x0  }
0xce: {  	[sflag:s21] =	ssyncadd.s32 $0xFFFFC000  }
0xcf: {  	[hbm4b:s16+s4] =	stream.linear.scatter [tilespmem:s20], [sflag:$0x4], $0x4000, $0x38;
	[tilespmem:$0x1E400] =	vst v63  }
0xd0: {  	_ =	swait.ge [sflag:s21], $0x4000  }
0xd1: {  	[sflag:s21] =	ssyncset.done $0x0  }
0xd2: {  	[sflag:s21] =	ssyncadd.s32 $0xFFFFC000  }
0xd3: {  	[tilespmem:s20], [sflag:$0x4] =	stream.linear.gather [spmem:s8], $0x4000, $0x38;
	[tilespmem:$0x1E400] =	vst v63  }
0xd4: {  	_ =	swait.ge [sflag:s21], $0x4000  }
0xd5: {  	[sflag:s21] =	ssyncset.done $0x0  }
0xd6: {  	[sflag:s21] =	ssyncadd.s32 $0xFFFFC000  }
0xd7: {  	[hbm4b:s17+s4] =	stream.linear.scatter [tilespmem:s20], [sflag:$0x4], $0x4000, $0x38;
	[tilespmem:$0x1E400] =	vst v63  }
0xd8: {  	_ =	swait.ge [sflag:s21], $0x4000  }
0xd9: {  	[sflag:s21] =	ssyncset.done $0x0  }
0xda: {  	[sflag:s21] =	ssyncadd.s32 $0xFFFFC000  }
0xdb: {  	[tilespmem:s20], [sflag:$0x4] =	stream.linear.gather [spmem:s9], $0x3C00, $0x38;
	[tilespmem:$0x1E400] =	vst v63  }
0xdc: {  	s0 =	sadd.s32 $0x1, s0;
	_ =	swait.ge [sflag:s21], $0x3C00  }
0xdd: {  	p0 =	sne.s32 s0, s19;
	[sflag:s21] =	ssyncset.done $0x0  }
.Ltmp3:
0xde: {  	[sflag:s21] =	ssyncadd.s32 $0xFFFFC400;
	(pc) =	sbr.rel @p0 .LBB2_1-.Ltmp3, $4  }
0xdf: {  	[hbm4b:s18+s4] =	stream.linear.scatter [tilespmem:s20], [sflag:$0x4], $0x3C00, $0x38;
	[tilespmem:$0x1E400] =	vst v63  }
0xe0: {  	_ =	swait.ge [sflag:s21], $0x3C00  }
0xe1: {  	[sflag:s21] =	ssyncset.done $0x0  }
0xe2: {  	[sflag:s21] =	ssyncadd.s32 $0xFFFFC400  }
0xe3: {  	_ =	sfence.sel $0x180000  }
0xe4: {  	[bflag:$0x0] =	sbarrier.arrive $0xFFFF  }
0xe5: {  	_ =	strace $0x9000004A  }
0xe6: {  	s0 =	stileid.u32;
	[bflag:$0x2] =	sbarrier.arrive $0xFFFF  }
0xe7: {  	p0 =	sne.s32 s0, $0x0;
	s0 =	rddreg [dreg:$0x3]  }
0xe8: {  	s0 =	sadd.s32 @!p0 $0x100000, s0  }
0xe9: {  	[sflag:s0] =	ssyncadd.tile.s32 @!p0 $0x1;
	_ =	shalt  }
.Lfunc_end2:
_tile_overlayer_lowered:
.L_overlay_start_2:
0xea: {  	(tag) =	ssettag $0x2  }
0xeb: {  	s0 =	rddreg [dreg:$0x0];
	s2 =	stileid.u32  }
0xec: {  	s1 =	rddreg [dreg:$0x1];
	p0 =	sne.s32 s2, $0x0  }
0xed: {  	s3 =	rddreg [dreg:$0x2];
	[bflag:$0x3] =	sbarrier.arrive $0xFFFF;
	s2 =	simm.s32 @!p0 $0x1C04  }
0xee: {  	[timem:s3], [sflag:s2] =	dma.local @!p0 [hbm:s0], s1  }
0xef: {  	s0 =	simm.s32 @!p0 $0x4  }
0xf0: {  	_ =	swait.ge @!p0 [sflag:s0], s1  }
0xf1: {  	s1 =	ssub.s32 @!p0 $0x0, s1;
	[sflag:s0] =	ssyncset.done @!p0 $0x0  }
0xf2: {  	[sflag:s0] =	ssyncadd.s32 @!p0 s1  }
0xf3: {  	[bflag:$0x3] =	sbarrier.arrive $0xFFFF  }
0xf4: {  	_ =	shalt  }

</sc_bundles>
